<compile_context>
chip_gen: v7x
topology: tpu7x:2x2x1
jax: 0.10.2.dev20260603
libtpu: 0.0.44.dev20260713+nightly
codegen_flags: <defaults>
</compile_context>

<pallas_src>
import functools

import jax
import jax.numpy as jnp
from jax import lax
from jax.experimental import pallas as pl
from jax.experimental.pallas import tpu as pltpu
from jax.experimental.pallas import tpu_sc as plsc

N = 10000
K = 16
D = 128
ED = 16

_BN = 1024
_NB = 10
_NP = _NB * _BN
_BE = _BN * K

_NC, _NS = 2, 16
_NW = _NC * _NS
_CH = 128
_NCHUNK = _NP * K // _CH
_CPW = _NCHUNK // _NW
_NBUF = 4

_sc_mesh = plsc.VectorSubcoreMesh(core_axis_name="c", subcore_axis_name="s")


@functools.partial(
    pl.kernel,
    mesh=_sc_mesh,
    compiler_params=pltpu.CompilerParams(use_tc_tiling_on_sc=True),
    out_type=jax.ShapeDtypeStruct((_NP * K, D), jnp.float32),
    scratch_types=[
        pltpu.VMEM((_CPW * _CH,), jnp.int32),
        pltpu.VMEM((_CH, D), jnp.float32),
        pltpu.VMEM((_CH, D), jnp.float32),
        pltpu.VMEM((_CH, D), jnp.float32),
        pltpu.VMEM((_CH, D), jnp.float32),
        pltpu.SemaphoreType.DMA,
        pltpu.SemaphoreType.DMA,
        pltpu.SemaphoreType.DMA,
        pltpu.SemaphoreType.DMA,
        pltpu.SemaphoreType.DMA,
    ],
)
def _sc_gather(table_hbm, idx_hbm, out_hbm, idx_v, r0, r1, r2, r3,
               semg, ss0, ss1, ss2, ss3):
    bufs = (r0, r1, r2, r3)
    ssems = (ss0, ss1, ss2, ss3)
    wid = lax.axis_index("s") * _NC + lax.axis_index("c")
    base = wid * _CPW
    pltpu.sync_copy(idx_hbm.at[pl.ds(base * _CH, _CPW * _CH)], idx_v)

    def body(i, carry):
        hs = []
        for b in range(_NBUF):
            c = i * _NBUF + b
            @pl.when(i > 0)
            def _():
                pltpu.make_async_copy(
                    bufs[b], out_hbm.at[pl.ds(0, _CH)], ssems[b]).wait()
            hs.append(pltpu.async_copy(
                table_hbm.at[idx_v.at[pl.ds(c * _CH, _CH)]],
                bufs[b], semg))
        for b in range(_NBUF):
            hs[b].wait()
            c = i * _NBUF + b
            pltpu.async_copy(
                bufs[b], out_hbm.at[pl.ds((base + c) * _CH, _CH)],
                ssems[b])
        return carry

    lax.fori_loop(0, _CPW // _NBUF, body, 0)
    for b in range(_NBUF):
        pltpu.make_async_copy(
            bufs[b], out_hbm.at[pl.ds(0, _CH)], ssems[b]).wait()


def _tc_body(v_ref, g_ref, e_ref, wf_ref, ws_ref, bf_ref, bs_ref, o_ref):
    vb = v_ref[...]
    wf = wf_ref[...]
    ws = ws_ref[...]
    fself = jnp.dot(vb, wf[:D], preferred_element_type=jnp.float32) + bf_ref[...]
    sself = jnp.dot(vb, ws[:D], preferred_element_type=jnp.float32) + bs_ref[...]
    wfc = wf[D:]
    wsc = ws[D:]
    acc = fself * 0.0
    for k in range(K):
        gk = g_ref[pl.ds(k * _BN, _BN), :]
        ek = e_ref[pl.ds(k * ED, ED), :]
        ge = jnp.concatenate([gk, ek.T], axis=1)
        fk = jnp.dot(ge, wfc, preferred_element_type=jnp.float32) + fself
        sk = jnp.dot(ge, wsc, preferred_element_type=jnp.float32) + sself
        acc = acc + (0.5 + 0.5 * jnp.tanh(fk * 0.5)) * jnp.tanh(sk)
    o_ref[...] = vb + acc


_tc_call = pl.pallas_call(
    _tc_body,
    grid=(_NB,),
    in_specs=[
        pl.BlockSpec((_BN, D), lambda i: (i, 0)),
        pl.BlockSpec((_BE, D), lambda i: (i, 0)),
        pl.BlockSpec((K * ED, _BN), lambda i: (0, i)),
        pl.BlockSpec((2 * D + ED, D), lambda i: (0, 0)),
        pl.BlockSpec((2 * D + ED, D), lambda i: (0, 0)),
        pl.BlockSpec((1, D), lambda i: (0, 0)),
        pl.BlockSpec((1, D), lambda i: (0, 0)),
    ],
    out_specs=pl.BlockSpec((_BN, D), lambda i: (i, 0)),
    out_shape=jax.ShapeDtypeStruct((N, D), jnp.float32),
    compiler_params=pltpu.CompilerParams(
        dimension_semantics=("arbitrary",),
    ),
)


def kernel(v, nl, e, wf, bf, ws, bs):
    v2 = v.reshape(N, D)
    e_t = jnp.transpose(e.reshape(N, K, ED), (1, 2, 0)).reshape(K * ED, N)
    pad_rows = jnp.broadcast_to(
        jnp.arange(_NP - N, dtype=jnp.int32)[:, None], (_NP - N, K))
    nl2 = jnp.concatenate(
        [nl.astype(jnp.int32).reshape(N, K), pad_rows])
    idx = nl2.reshape(_NB, _BN, K).transpose(0, 2, 1).reshape(_NP * K)
    bf2 = bf.reshape(1, D)
    bs2 = bs.reshape(1, D)
    g = _sc_gather(v2, idx)
    out = _tc_call(v2, g, e_t, wf, ws, bf2, bs2)
    return out.reshape(1, N, D)

# --- scband reference (transcript-rebuilt; emitter-appended) ---
"""Pipeline reference for scband-graph-convolution-64871186039118 (READ-ONLY COPY).

The authoritative reference and input builder live on the scoring server;
editing this copy changes nothing except your own understanding.
"""

import jax, jax.numpy as jnp
import numpy as np

NODE_DIM = 128
EDGE_DIM = 16
B, N, K = 1, 10000, 16
Z_DIM = 2 * NODE_DIM + EDGE_DIM


def setup_inputs(seed: int = 0) -> dict:
    key = jax.random.key(seed)
    k1, k2, k3, k4, k5, k6, k7 = jax.random.split(key, 7)
    v = jax.random.normal(k1, (B, N, NODE_DIM), dtype=jnp.float32)
    nl = jax.random.randint(k2, (B, N, K), 0, N, dtype=jnp.int64)
    e = jax.random.normal(k3, (B, N, K, EDGE_DIM), dtype=jnp.float32)
    wf = jax.random.normal(k4, (Z_DIM, NODE_DIM), dtype=jnp.float32) * 0.05
    bf = jax.random.normal(k5, (NODE_DIM,), dtype=jnp.float32) * 0.05
    ws = jax.random.normal(k6, (Z_DIM, NODE_DIM), dtype=jnp.float32) * 0.05
    bs = jax.random.normal(k7, (NODE_DIM,), dtype=jnp.float32) * 0.05
    return {"v": v, "nl": nl, "e": e, "wf": wf, "bf": bf, "ws": ws, "bs": bs}


def reference(v, nl, e, wf, bf, ws, bs):
    # NeighborLookup: gather neighbor features with masking for negative indices
    mask = jnp.where(nl < 0, 0, 1).astype(jnp.float32)[..., None]  # [B, N, K, 1]
    n = jnp.where(nl < 0, 0, nl)
    b, nn_, kk = n.shape
    d = v.shape[-1]
    # gather: nn[b,i,k,:] = v[b, n[b,i,k], :]
    flat_idx = n.reshape(b, nn_ * kk)[..., None]  # [B, N*K, 1]
    gathered = jnp.take_along_axis(v, flat_idx, axis=1)  # [B, N*K, D]
    nn = gathered.reshape(b, nn_, kk, d) * mask  # [B, N, K, D]

    # GraphConvolution body
    v_view = jnp.broadcast_to(v[:, :, None, :], nn.shape)
    z = jnp.concatenate([v_view, nn, e], axis=-1)  # [B, N, K, Z_DIM]
    s = (jax.nn.sigmoid(jnp.einsum('ijkl,lm->ijkm', z, wf) + bf)
         * jnp.tanh(jnp.einsum('ijkl,lm->ijkm', z, ws) + bs)
         * mask)
    v_next = v + jnp.sum(s, axis=2)
    return v_next

if __name__ == "__main__":
    import jax
    _d = setup_inputs()
    print(jax.jit(kernel)(*tuple(_d.values())))

</pallas_src>

<mosaic_0001>
#map = affine_map<(d0, d1) -> (0, 0)>
#map1 = affine_map<(d0, d1) -> (0)>
module attributes {stable_mosaic.version = 14 : i64} {
  func.func @_sc_gather(%arg0: i32, %arg1: i32, %arg2: memref<10000x128xf32, #tpu.memory_space<hbm>>, %arg3: memref<163840xi32, #tpu.memory_space<hbm>>, %arg4: memref<163840x128xf32, #tpu.memory_space<hbm>>, %arg5: memref<5120xi32, #tpu.memory_space<vmem>>, %arg6: memref<128x128xf32, #tpu.memory_space<vmem>>, %arg7: memref<128x128xf32, #tpu.memory_space<vmem>>, %arg8: memref<128x128xf32, #tpu.memory_space<vmem>>, %arg9: memref<128x128xf32, #tpu.memory_space<vmem>>, %arg10: memref<!tpu.dma_semaphore, #tpu.memory_space<semaphore_mem>>, %arg11: memref<!tpu.dma_semaphore, #tpu.memory_space<semaphore_mem>>, %arg12: memref<!tpu.dma_semaphore, #tpu.memory_space<semaphore_mem>>, %arg13: memref<!tpu.dma_semaphore, #tpu.memory_space<semaphore_mem>>, %arg14: memref<!tpu.dma_semaphore, #tpu.memory_space<semaphore_mem>>) attributes {dimension_semantics = [#tpu.dimension_semantics<core_parallel>, #tpu.dimension_semantics<subcore_parallel>], iteration_bounds = array<i64: 2, 16>, scalar_prefetch = 0 : i64, scratch_operands = 10 : i64, tpu.core_type = #tpu.core_type<sc_vector_subcore>, window_params = [{transform_indices = #map}, {transform_indices = #map1}, {transform_indices = #map}]} {
    %mul3A = arith.constant 2 : i32
    %mul3A_0 = arith.muli %arg1, %mul3A : i32
    %add3A = arith.addi %mul3A_0, %arg0 : i32
    %mul3A_1 = arith.constant 40 : i32
    %mul3A_2 = arith.muli %add3A, %mul3A_1 : i32
    %mul3A_3 = arith.constant 128 : i32
    %mul3A_4 = arith.muli %mul3A_2, %mul3A_3 : i32
    "tpu.region"() ({
      %run_scoped3A = tpu.sem_alloc : memref<!tpu.dma_semaphore, #tpu.memory_space<semaphore_mem>>
      %dma_start3A = tpu.memref_slice %arg3[%mul3A_4] : memref<163840xi32, #tpu.memory_space<hbm>> -> memref<5120xi32, #tpu.memory_space<hbm>>
      %dma_start3A_33 = tpu.memref_slice %arg3[%mul3A_4] : memref<163840xi32, #tpu.memory_space<hbm>> -> memref<5120xi32, #tpu.memory_space<hbm>>
      tpu.enqueue_dma source(%dma_start3A_33 : memref<5120xi32, #tpu.memory_space<hbm>>) target(%arg5 : memref<5120xi32, #tpu.memory_space<vmem>>) target_semaphore(%run_scoped3A : memref<!tpu.dma_semaphore, #tpu.memory_space<semaphore_mem>>)
      %dma_wait3A_34 = tpu.memref_slice %arg3[%mul3A_4] : memref<163840xi32, #tpu.memory_space<hbm>> -> memref<5120xi32, #tpu.memory_space<hbm>>
      %dma_wait3A_35 = tpu.memref_slice %arg3[%mul3A_4] : memref<163840xi32, #tpu.memory_space<hbm>> -> memref<5120xi32, #tpu.memory_space<hbm>>
      tpu.wait_dma2 semaphore(%run_scoped3A : memref<!tpu.dma_semaphore, #tpu.memory_space<semaphore_mem>>) src(%dma_wait3A_35 : memref<5120xi32, #tpu.memory_space<hbm>>) dst(%arg5 : memref<5120xi32, #tpu.memory_space<vmem>>)
      tpu.yield
    }) : () -> ()
    %scan3A = arith.constant 0 : i32
    %scan3A_5 = arith.constant 0 : i32
    %scan3A_6 = arith.constant 10 : i32
    %scan3A_7 = arith.addi %scan3A_5, %scan3A_6 : i32
    %scan3A_8 = arith.constant 1 : i32
    scf.for %scan3A_33 = %scan3A_5 to %scan3A_7 step %scan3A_8  : i32 {
      %mul3A_34 = arith.constant 4 : i32
      %mul3A_35 = arith.muli %scan3A_33, %mul3A_34 : i32
      %add3A_36 = arith.constant 0 : i32
      %add3A_37 = arith.addi %mul3A_35, %add3A_36 : i32
      %gt3A = arith.constant 0 : i32
      %gt3A_38 = arith.cmpi sgt, %scan3A_33, %gt3A : i32
      %convert_element_type3A = arith.extui %gt3A_38 : i1 to i32
      %cond3A = arith.constant 0 : i32
      %cond3A_39 = arith.cmpi ne, %convert_element_type3A, %cond3A : i32
      scf.if %cond3A_39 {
        %dma_wait3A_150 = arith.constant 0 : i32
        %dma_wait3A_151 = arith.constant 0 : i32
        %dma_wait3A_152 = tpu.memref_slice %arg4[%dma_wait3A_150, %dma_wait3A_151] : memref<163840x128xf32, #tpu.memory_space<hbm>> -> memref<128x128xf32, #tpu.memory_space<hbm>>
        %dma_wait3A_153 = arith.constant 0 : i32
        %dma_wait3A_154 = arith.constant 0 : i32
        %dma_wait3A_155 = tpu.memref_slice %arg4[%dma_wait3A_153, %dma_wait3A_154] : memref<163840x128xf32, #tpu.memory_space<hbm>> -> memref<128x128xf32, #tpu.memory_space<hbm>>
        tpu.wait_dma2 semaphore(%arg11 : memref<!tpu.dma_semaphore, #tpu.memory_space<semaphore_mem>>) src(%arg6 : memref<128x128xf32, #tpu.memory_space<vmem>>) dst(%dma_wait3A_155 : memref<128x128xf32, #tpu.memory_space<hbm>>)
      } else {
      }
      %mul3A_40 = arith.constant 128 : i32
      %mul3A_41 = arith.muli %add3A_37, %mul3A_40 : i32
      %dma_start3A = tpu.memref_slice %arg5[%mul3A_41] : memref<5120xi32, #tpu.memory_space<vmem>> -> memref<128xi32, #tpu.memory_space<vmem>>
      %dma_start3A_42 = arith.constant 0 : i32
      %dma_start3A_43 = arith.constant 0 : i32
      %dma_start3A_44 = tpu.memref_slice %arg2[%dma_start3A_42, %dma_start3A_43] : memref<10000x128xf32, #tpu.memory_space<hbm>> -> memref<10000x128xf32, #tpu.memory_space<hbm>>
      tpu.enqueue_indirect_dma source(%dma_start3A_44 : memref<10000x128xf32, #tpu.memory_space<hbm>>) target(%arg6 : memref<128x128xf32, #tpu.memory_space<vmem>>) offsets(%dma_start3A : memref<128xi32, #tpu.memory_space<vmem>>) semaphore(%arg10 : memref<!tpu.dma_semaphore, #tpu.memory_space<semaphore_mem>>)
      %mul3A_45 = arith.constant 4 : i32
      %mul3A_46 = arith.muli %scan3A_33, %mul3A_45 : i32
      %add3A_47 = arith.constant 1 : i32
      %add3A_48 = arith.addi %mul3A_46, %add3A_47 : i32
      %gt3A_49 = arith.constant 0 : i32
      %gt3A_50 = arith.cmpi sgt, %scan3A_33, %gt3A_49 : i32
      %convert_element_type3A_51 = arith.extui %gt3A_50 : i1 to i32
      %cond3A_52 = arith.constant 0 : i32
      %cond3A_53 = arith.cmpi ne, %convert_element_type3A_51, %cond3A_52 : i32
      scf.if %cond3A_53 {
        %dma_wait3A_150 = arith.constant 0 : i32
        %dma_wait3A_151 = arith.constant 0 : i32
        %dma_wait3A_152 = tpu.memref_slice %arg4[%dma_wait3A_150, %dma_wait3A_151] : memref<163840x128xf32, #tpu.memory_space<hbm>> -> memref<128x128xf32, #tpu.memory_space<hbm>>
        %dma_wait3A_153 = arith.constant 0 : i32
        %dma_wait3A_154 = arith.constant 0 : i32
        %dma_wait3A_155 = tpu.memref_slice %arg4[%dma_wait3A_153, %dma_wait3A_154] : memref<163840x128xf32, #tpu.memory_space<hbm>> -> memref<128x128xf32, #tpu.memory_space<hbm>>
        tpu.wait_dma2 semaphore(%arg12 : memref<!tpu.dma_semaphore, #tpu.memory_space<semaphore_mem>>) src(%arg7 : memref<128x128xf32, #tpu.memory_space<vmem>>) dst(%dma_wait3A_155 : memref<128x128xf32, #tpu.memory_space<hbm>>)
      } else {
      }
      %mul3A_54 = arith.constant 128 : i32
      %mul3A_55 = arith.muli %add3A_48, %mul3A_54 : i32
      %dma_start3A_56 = tpu.memref_slice %arg5[%mul3A_55] : memref<5120xi32, #tpu.memory_space<vmem>> -> memref<128xi32, #tpu.memory_space<vmem>>
      %dma_start3A_57 = arith.constant 0 : i32
      %dma_start3A_58 = arith.constant 0 : i32
      %dma_start3A_59 = tpu.memref_slice %arg2[%dma_start3A_57, %dma_start3A_58] : memref<10000x128xf32, #tpu.memory_space<hbm>> -> memref<10000x128xf32, #tpu.memory_space<hbm>>
      tpu.enqueue_indirect_dma source(%dma_start3A_59 : memref<10000x128xf32, #tpu.memory_space<hbm>>) target(%arg7 : memref<128x128xf32, #tpu.memory_space<vmem>>) offsets(%dma_start3A_56 : memref<128xi32, #tpu.memory_space<vmem>>) semaphore(%arg10 : memref<!tpu.dma_semaphore, #tpu.memory_space<semaphore_mem>>)
      %mul3A_60 = arith.constant 4 : i32
      %mul3A_61 = arith.muli %scan3A_33, %mul3A_60 : i32
      %add3A_62 = arith.constant 2 : i32
      %add3A_63 = arith.addi %mul3A_61, %add3A_62 : i32
      %gt3A_64 = arith.constant 0 : i32
      %gt3A_65 = arith.cmpi sgt, %scan3A_33, %gt3A_64 : i32
      %convert_element_type3A_66 = arith.extui %gt3A_65 : i1 to i32
      %cond3A_67 = arith.constant 0 : i32
      %cond3A_68 = arith.cmpi ne, %convert_element_type3A_66, %cond3A_67 : i32
      scf.if %cond3A_68 {
        %dma_wait3A_150 = arith.constant 0 : i32
        %dma_wait3A_151 = arith.constant 0 : i32
        %dma_wait3A_152 = tpu.memref_slice %arg4[%dma_wait3A_150, %dma_wait3A_151] : memref<163840x128xf32, #tpu.memory_space<hbm>> -> memref<128x128xf32, #tpu.memory_space<hbm>>
        %dma_wait3A_153 = arith.constant 0 : i32
        %dma_wait3A_154 = arith.constant 0 : i32
        %dma_wait3A_155 = tpu.memref_slice %arg4[%dma_wait3A_153, %dma_wait3A_154] : memref<163840x128xf32, #tpu.memory_space<hbm>> -> memref<128x128xf32, #tpu.memory_space<hbm>>
        tpu.wait_dma2 semaphore(%arg13 : memref<!tpu.dma_semaphore, #tpu.memory_space<semaphore_mem>>) src(%arg8 : memref<128x128xf32, #tpu.memory_space<vmem>>) dst(%dma_wait3A_155 : memref<128x128xf32, #tpu.memory_space<hbm>>)
      } else {
      }
      %mul3A_69 = arith.constant 128 : i32
      %mul3A_70 = arith.muli %add3A_63, %mul3A_69 : i32
      %dma_start3A_71 = tpu.memref_slice %arg5[%mul3A_70] : memref<5120xi32, #tpu.memory_space<vmem>> -> memref<128xi32, #tpu.memory_space<vmem>>
      %dma_start3A_72 = arith.constant 0 : i32
      %dma_start3A_73 = arith.constant 0 : i32
      %dma_start3A_74 = tpu.memref_slice %arg2[%dma_start3A_72, %dma_start3A_73] : memref<10000x128xf32, #tpu.memory_space<hbm>> -> memref<10000x128xf32, #tpu.memory_space<hbm>>
      tpu.enqueue_indirect_dma source(%dma_start3A_74 : memref<10000x128xf32, #tpu.memory_space<hbm>>) target(%arg8 : memref<128x128xf32, #tpu.memory_space<vmem>>) offsets(%dma_start3A_71 : memref<128xi32, #tpu.memory_space<vmem>>) semaphore(%arg10 : memref<!tpu.dma_semaphore, #tpu.memory_space<semaphore_mem>>)
      %mul3A_75 = arith.constant 4 : i32
      %mul3A_76 = arith.muli %scan3A_33, %mul3A_75 : i32
      %add3A_77 = arith.constant 3 : i32
      %add3A_78 = arith.addi %mul3A_76, %add3A_77 : i32
      %gt3A_79 = arith.constant 0 : i32
      %gt3A_80 = arith.cmpi sgt, %scan3A_33, %gt3A_79 : i32
      %convert_element_type3A_81 = arith.extui %gt3A_80 : i1 to i32
      %cond3A_82 = arith.constant 0 : i32
      %cond3A_83 = arith.cmpi ne, %convert_element_type3A_81, %cond3A_82 : i32
      scf.if %cond3A_83 {
        %dma_wait3A_150 = arith.constant 0 : i32
        %dma_wait3A_151 = arith.constant 0 : i32
        %dma_wait3A_152 = tpu.memref_slice %arg4[%dma_wait3A_150, %dma_wait3A_151] : memref<163840x128xf32, #tpu.memory_space<hbm>> -> memref<128x128xf32, #tpu.memory_space<hbm>>
        %dma_wait3A_153 = arith.constant 0 : i32
        %dma_wait3A_154 = arith.constant 0 : i32
        %dma_wait3A_155 = tpu.memref_slice %arg4[%dma_wait3A_153, %dma_wait3A_154] : memref<163840x128xf32, #tpu.memory_space<hbm>> -> memref<128x128xf32, #tpu.memory_space<hbm>>
        tpu.wait_dma2 semaphore(%arg14 : memref<!tpu.dma_semaphore, #tpu.memory_space<semaphore_mem>>) src(%arg9 : memref<128x128xf32, #tpu.memory_space<vmem>>) dst(%dma_wait3A_155 : memref<128x128xf32, #tpu.memory_space<hbm>>)
      } else {
      }
      %mul3A_84 = arith.constant 128 : i32
      %mul3A_85 = arith.muli %add3A_78, %mul3A_84 : i32
      %dma_start3A_86 = tpu.memref_slice %arg5[%mul3A_85] : memref<5120xi32, #tpu.memory_space<vmem>> -> memref<128xi32, #tpu.memory_space<vmem>>
      %dma_start3A_87 = arith.constant 0 : i32
      %dma_start3A_88 = arith.constant 0 : i32
      %dma_start3A_89 = tpu.memref_slice %arg2[%dma_start3A_87, %dma_start3A_88] : memref<10000x128xf32, #tpu.memory_space<hbm>> -> memref<10000x128xf32, #tpu.memory_space<hbm>>
      tpu.enqueue_indirect_dma source(%dma_start3A_89 : memref<10000x128xf32, #tpu.memory_space<hbm>>) target(%arg9 : memref<128x128xf32, #tpu.memory_space<vmem>>) offsets(%dma_start3A_86 : memref<128xi32, #tpu.memory_space<vmem>>) semaphore(%arg10 : memref<!tpu.dma_semaphore, #tpu.memory_space<semaphore_mem>>)
      %dma_wait3A_90 = tpu.memref_slice %arg5[%mul3A_41] : memref<5120xi32, #tpu.memory_space<vmem>> -> memref<128xi32, #tpu.memory_space<vmem>>
      %dma_wait3A_91 = arith.constant 0 : i32
      %dma_wait3A_92 = arith.constant 0 : i32
      %dma_wait3A_93 = tpu.memref_slice %arg2[%dma_wait3A_91, %dma_wait3A_92] : memref<10000x128xf32, #tpu.memory_space<hbm>> -> memref<10000x128xf32, #tpu.memory_space<hbm>>
      tpu.wait_indirect_dma semaphore(%arg10 : memref<!tpu.dma_semaphore, #tpu.memory_space<semaphore_mem>>) src(%dma_wait3A_93 : memref<10000x128xf32, #tpu.memory_space<hbm>>) dst(%arg6 : memref<128x128xf32, #tpu.memory_space<vmem>>)
      %mul3A_94 = arith.constant 4 : i32
      %mul3A_95 = arith.muli %scan3A_33, %mul3A_94 : i32
      %add3A_96 = arith.constant 0 : i32
      %add3A_97 = arith.addi %mul3A_95, %add3A_96 : i32
      %add3A_98 = arith.addi %mul3A_2, %add3A_97 : i32
      %mul3A_99 = arith.constant 128 : i32
      %mul3A_100 = arith.muli %add3A_98, %mul3A_99 : i32
      %dma_start3A_101 = arith.constant 0 : i32
      %dma_start3A_102 = tpu.memref_slice %arg4[%mul3A_100, %dma_start3A_101] : memref<163840x128xf32, #tpu.memory_space<hbm>> -> memref<128x128xf32, #tpu.memory_space<hbm>>
      %dma_start3A_103 = arith.constant 0 : i32
      %dma_start3A_104 = tpu.memref_slice %arg4[%mul3A_100, %dma_start3A_103] : memref<163840x128xf32, #tpu.memory_space<hbm>> -> memref<128x128xf32, #tpu.memory_space<hbm>>
      tpu.enqueue_dma source(%arg6 : memref<128x128xf32, #tpu.memory_space<vmem>>) target(%dma_start3A_104 : memref<128x128xf32, #tpu.memory_space<hbm>>) target_semaphore(%arg11 : memref<!tpu.dma_semaphore, #tpu.memory_space<semaphore_mem>>)
      %dma_wait3A_105 = tpu.memref_slice %arg5[%mul3A_55] : memref<5120xi32, #tpu.memory_space<vmem>> -> memref<128xi32, #tpu.memory_space<vmem>>
      %dma_wait3A_106 = arith.constant 0 : i32
      %dma_wait3A_107 = arith.constant 0 : i32
      %dma_wait3A_108 = tpu.memref_slice %arg2[%dma_wait3A_106, %dma_wait3A_107] : memref<10000x128xf32, #tpu.memory_space<hbm>> -> memref<10000x128xf32, #tpu.memory_space<hbm>>
      tpu.wait_indirect_dma semaphore(%arg10 : memref<!tpu.dma_semaphore, #tpu.memory_space<semaphore_mem>>) src(%dma_wait3A_108 : memref<10000x128xf32, #tpu.memory_space<hbm>>) dst(%arg7 : memref<128x128xf32, #tpu.memory_space<vmem>>)
      %mul3A_109 = arith.constant 4 : i32
      %mul3A_110 = arith.muli %scan3A_33, %mul3A_109 : i32
      %add3A_111 = arith.constant 1 : i32
      %add3A_112 = arith.addi %mul3A_110, %add3A_111 : i32
      %add3A_113 = arith.addi %mul3A_2, %add3A_112 : i32
      %mul3A_114 = arith.constant 128 : i32
      %mul3A_115 = arith.muli %add3A_113, %mul3A_114 : i32
      %dma_start3A_116 = arith.constant 0 : i32
      %dma_start3A_117 = tpu.memref_slice %arg4[%mul3A_115, %dma_start3A_116] : memref<163840x128xf32, #tpu.memory_space<hbm>> -> memref<128x128xf32, #tpu.memory_space<hbm>>
      %dma_start3A_118 = arith.constant 0 : i32
      %dma_start3A_119 = tpu.memref_slice %arg4[%mul3A_115, %dma_start3A_118] : memref<163840x128xf32, #tpu.memory_space<hbm>> -> memref<128x128xf32, #tpu.memory_space<hbm>>
      tpu.enqueue_dma source(%arg7 : memref<128x128xf32, #tpu.memory_space<vmem>>) target(%dma_start3A_119 : memref<128x128xf32, #tpu.memory_space<hbm>>) target_semaphore(%arg12 : memref<!tpu.dma_semaphore, #tpu.memory_space<semaphore_mem>>)
      %dma_wait3A_120 = tpu.memref_slice %arg5[%mul3A_70] : memref<5120xi32, #tpu.memory_space<vmem>> -> memref<128xi32, #tpu.memory_space<vmem>>
      %dma_wait3A_121 = arith.constant 0 : i32
      %dma_wait3A_122 = arith.constant 0 : i32
      %dma_wait3A_123 = tpu.memref_slice %arg2[%dma_wait3A_121, %dma_wait3A_122] : memref<10000x128xf32, #tpu.memory_space<hbm>> -> memref<10000x128xf32, #tpu.memory_space<hbm>>
      tpu.wait_indirect_dma semaphore(%arg10 : memref<!tpu.dma_semaphore, #tpu.memory_space<semaphore_mem>>) src(%dma_wait3A_123 : memref<10000x128xf32, #tpu.memory_space<hbm>>) dst(%arg8 : memref<128x128xf32, #tpu.memory_space<vmem>>)
      %mul3A_124 = arith.constant 4 : i32
      %mul3A_125 = arith.muli %scan3A_33, %mul3A_124 : i32
      %add3A_126 = arith.constant 2 : i32
      %add3A_127 = arith.addi %mul3A_125, %add3A_126 : i32
      %add3A_128 = arith.addi %mul3A_2, %add3A_127 : i32
      %mul3A_129 = arith.constant 128 : i32
      %mul3A_130 = arith.muli %add3A_128, %mul3A_129 : i32
      %dma_start3A_131 = arith.constant 0 : i32
      %dma_start3A_132 = tpu.memref_slice %arg4[%mul3A_130, %dma_start3A_131] : memref<163840x128xf32, #tpu.memory_space<hbm>> -> memref<128x128xf32, #tpu.memory_space<hbm>>
      %dma_start3A_133 = arith.constant 0 : i32
      %dma_start3A_134 = tpu.memref_slice %arg4[%mul3A_130, %dma_start3A_133] : memref<163840x128xf32, #tpu.memory_space<hbm>> -> memref<128x128xf32, #tpu.memory_space<hbm>>
      tpu.enqueue_dma source(%arg8 : memref<128x128xf32, #tpu.memory_space<vmem>>) target(%dma_start3A_134 : memref<128x128xf32, #tpu.memory_space<hbm>>) target_semaphore(%arg13 : memref<!tpu.dma_semaphore, #tpu.memory_space<semaphore_mem>>)
      %dma_wait3A_135 = tpu.memref_slice %arg5[%mul3A_85] : memref<5120xi32, #tpu.memory_space<vmem>> -> memref<128xi32, #tpu.memory_space<vmem>>
      %dma_wait3A_136 = arith.constant 0 : i32
      %dma_wait3A_137 = arith.constant 0 : i32
      %dma_wait3A_138 = tpu.memref_slice %arg2[%dma_wait3A_136, %dma_wait3A_137] : memref<10000x128xf32, #tpu.memory_space<hbm>> -> memref<10000x128xf32, #tpu.memory_space<hbm>>
      tpu.wait_indirect_dma semaphore(%arg10 : memref<!tpu.dma_semaphore, #tpu.memory_space<semaphore_mem>>) src(%dma_wait3A_138 : memref<10000x128xf32, #tpu.memory_space<hbm>>) dst(%arg9 : memref<128x128xf32, #tpu.memory_space<vmem>>)
      %mul3A_139 = arith.constant 4 : i32
      %mul3A_140 = arith.muli %scan3A_33, %mul3A_139 : i32
      %add3A_141 = arith.constant 3 : i32
      %add3A_142 = arith.addi %mul3A_140, %add3A_141 : i32
      %add3A_143 = arith.addi %mul3A_2, %add3A_142 : i32
      %mul3A_144 = arith.constant 128 : i32
      %mul3A_145 = arith.muli %add3A_143, %mul3A_144 : i32
      %dma_start3A_146 = arith.constant 0 : i32
      %dma_start3A_147 = tpu.memref_slice %arg4[%mul3A_145, %dma_start3A_146] : memref<163840x128xf32, #tpu.memory_space<hbm>> -> memref<128x128xf32, #tpu.memory_space<hbm>>
      %dma_start3A_148 = arith.constant 0 : i32
      %dma_start3A_149 = tpu.memref_slice %arg4[%mul3A_145, %dma_start3A_148] : memref<163840x128xf32, #tpu.memory_space<hbm>> -> memref<128x128xf32, #tpu.memory_space<hbm>>
      tpu.enqueue_dma source(%arg9 : memref<128x128xf32, #tpu.memory_space<vmem>>) target(%dma_start3A_149 : memref<128x128xf32, #tpu.memory_space<hbm>>) target_semaphore(%arg14 : memref<!tpu.dma_semaphore, #tpu.memory_space<semaphore_mem>>)
    }
    %scan3A_9 = arith.constant 10 : i32
    %dma_wait3A = arith.constant 0 : i32
    %dma_wait3A_10 = arith.constant 0 : i32
    %dma_wait3A_11 = tpu.memref_slice %arg4[%dma_wait3A, %dma_wait3A_10] : memref<163840x128xf32, #tpu.memory_space<hbm>> -> memref<128x128xf32, #tpu.memory_space<hbm>>
    %dma_wait3A_12 = arith.constant 0 : i32
    %dma_wait3A_13 = arith.constant 0 : i32
    %dma_wait3A_14 = tpu.memref_slice %arg4[%dma_wait3A_12, %dma_wait3A_13] : memref<163840x128xf32, #tpu.memory_space<hbm>> -> memref<128x128xf32, #tpu.memory_space<hbm>>
    tpu.wait_dma2 semaphore(%arg11 : memref<!tpu.dma_semaphore, #tpu.memory_space<semaphore_mem>>) src(%arg6 : memref<128x128xf32, #tpu.memory_space<vmem>>) dst(%dma_wait3A_14 : memref<128x128xf32, #tpu.memory_space<hbm>>)
    %dma_wait3A_15 = arith.constant 0 : i32
    %dma_wait3A_16 = arith.constant 0 : i32
    %dma_wait3A_17 = tpu.memref_slice %arg4[%dma_wait3A_15, %dma_wait3A_16] : memref<163840x128xf32, #tpu.memory_space<hbm>> -> memref<128x128xf32, #tpu.memory_space<hbm>>
    %dma_wait3A_18 = arith.constant 0 : i32
    %dma_wait3A_19 = arith.constant 0 : i32
    %dma_wait3A_20 = tpu.memref_slice %arg4[%dma_wait3A_18, %dma_wait3A_19] : memref<163840x128xf32, #tpu.memory_space<hbm>> -> memref<128x128xf32, #tpu.memory_space<hbm>>
    tpu.wait_dma2 semaphore(%arg12 : memref<!tpu.dma_semaphore, #tpu.memory_space<semaphore_mem>>) src(%arg7 : memref<128x128xf32, #tpu.memory_space<vmem>>) dst(%dma_wait3A_20 : memref<128x128xf32, #tpu.memory_space<hbm>>)
    %dma_wait3A_21 = arith.constant 0 : i32
    %dma_wait3A_22 = arith.constant 0 : i32
    %dma_wait3A_23 = tpu.memref_slice %arg4[%dma_wait3A_21, %dma_wait3A_22] : memref<163840x128xf32, #tpu.memory_space<hbm>> -> memref<128x128xf32, #tpu.memory_space<hbm>>
    %dma_wait3A_24 = arith.constant 0 : i32
    %dma_wait3A_25 = arith.constant 0 : i32
    %dma_wait3A_26 = tpu.memref_slice %arg4[%dma_wait3A_24, %dma_wait3A_25] : memref<163840x128xf32, #tpu.memory_space<hbm>> -> memref<128x128xf32, #tpu.memory_space<hbm>>
    tpu.wait_dma2 semaphore(%arg13 : memref<!tpu.dma_semaphore, #tpu.memory_space<semaphore_mem>>) src(%arg8 : memref<128x128xf32, #tpu.memory_space<vmem>>) dst(%dma_wait3A_26 : memref<128x128xf32, #tpu.memory_space<hbm>>)
    %dma_wait3A_27 = arith.constant 0 : i32
    %dma_wait3A_28 = arith.constant 0 : i32
    %dma_wait3A_29 = tpu.memref_slice %arg4[%dma_wait3A_27, %dma_wait3A_28] : memref<163840x128xf32, #tpu.memory_space<hbm>> -> memref<128x128xf32, #tpu.memory_space<hbm>>
    %dma_wait3A_30 = arith.constant 0 : i32
    %dma_wait3A_31 = arith.constant 0 : i32
    %dma_wait3A_32 = tpu.memref_slice %arg4[%dma_wait3A_30, %dma_wait3A_31] : memref<163840x128xf32, #tpu.memory_space<hbm>> -> memref<128x128xf32, #tpu.memory_space<hbm>>
    tpu.wait_dma2 semaphore(%arg14 : memref<!tpu.dma_semaphore, #tpu.memory_space<semaphore_mem>>) src(%arg9 : memref<128x128xf32, #tpu.memory_space<vmem>>) dst(%dma_wait3A_32 : memref<128x128xf32, #tpu.memory_space<hbm>>)
    return
  }
}

module attributes {stable_mosaic.version = 14 : i64} {
  func.func @_tc_body(%arg0: i32, %arg1: memref<1024x128xf32, #tpu.memory_space<vmem>>, %arg2: memref<16384x128xf32, #tpu.memory_space<vmem>>, %arg3: memref<256x1024xf32, #tpu.memory_space<vmem>>, %arg4: memref<272x128xf32, #tpu.memory_space<vmem>>, %arg5: memref<272x128xf32, #tpu.memory_space<vmem>>, %arg6: memref<1x128xf32, #tpu.memory_space<vmem>>, %arg7: memref<1x128xf32, #tpu.memory_space<vmem>>, %arg8: memref<1024x128xf32, #tpu.memory_space<vmem>>) attributes {dimension_semantics = [#tpu.dimension_semantics<arbitrary>], iteration_bounds = array<i64: 10>, scalar_prefetch = 0 : i64, scratch_operands = 0 : i64, tpu.core_type = #tpu.core_type<tc>, window_params = [{transform_indices = @transform_0, window_bounds = array<i64: 1024, 128>}, {transform_indices = @transform_1, window_bounds = array<i64: 16384, 128>}, {transform_indices = @transform_2, window_bounds = array<i64: 256, 1024>}, {pipeline_mode = #tpu.pipeline_mode<synchronous>, transform_indices = @transform_3, window_bounds = array<i64: 272, 128>}, {pipeline_mode = #tpu.pipeline_mode<synchronous>, transform_indices = @transform_4, window_bounds = array<i64: 272, 128>}, {pipeline_mode = #tpu.pipeline_mode<synchronous>, transform_indices = @transform_5, window_bounds = array<i64: 1, 128>}, {pipeline_mode = #tpu.pipeline_mode<synchronous>, transform_indices = @transform_6, window_bounds = array<i64: 1, 128>}, {transform_indices = @transform_7, window_bounds = array<i64: 1024, 128>}]} {
    %get3A = arith.constant 0 : index
    %get3A_0 = arith.constant 0 : index
    %get3A_1 = vector.load %arg1[%get3A, %get3A_0] : memref<1024x128xf32, #tpu.memory_space<vmem>>, vector<1024x128xf32>
    %get3A_2 = arith.constant 0 : index
    %get3A_3 = arith.constant 0 : index
    %get3A_4 = vector.load %arg4[%get3A_2, %get3A_3] : memref<272x128xf32, #tpu.memory_space<vmem>>, vector<272x128xf32>
    %get3A_5 = arith.constant 0 : index
    %get3A_6 = arith.constant 0 : index
    %get3A_7 = vector.load %arg5[%get3A_5, %get3A_6] : memref<272x128xf32, #tpu.memory_space<vmem>>, vector<272x128xf32>
    %slice3A = vector.extract_strided_slice %get3A_4 {offsets = [0, 0], sizes = [128, 128], strides = [1, 1]} : vector<272x128xf32> to vector<128x128xf32>
    %dot_general3A = arith.constant dense<0.000000e+00> : vector<1024x128xf32>
    %dot_general3A_8 = tpu.matmul %get3A_1, %slice3A, %dot_general3A {dimension_numbers = #tpu.dot_dimension_numbers<[1], [0], [0], [1], [0, 0, 1, 1], [], []>, transpose_lhs_hint = false} : vector<1024x128xf32>, vector<128x128xf32>, vector<1024x128xf32> -> vector<1024x128xf32>
    %get3A_9 = arith.constant 0 : index
    %get3A_10 = arith.constant 0 : index
    %get3A_11 = vector.load %arg6[%get3A_9, %get3A_10] : memref<1x128xf32, #tpu.memory_space<vmem>>, vector<1x128xf32>
    %add3A = vector.broadcast %get3A_11 : vector<1x128xf32> to vector<1024x128xf32>
    %add3A_12 = arith.addf %dot_general3A_8, %add3A : vector<1024x128xf32>
    %slice3A_13 = vector.extract_strided_slice %get3A_7 {offsets = [0, 0], sizes = [128, 128], strides = [1, 1]} : vector<272x128xf32> to vector<128x128xf32>
    %dot_general3A_14 = arith.constant dense<0.000000e+00> : vector<1024x128xf32>
    %dot_general3A_15 = tpu.matmul %get3A_1, %slice3A_13, %dot_general3A_14 {dimension_numbers = #tpu.dot_dimension_numbers<[1], [0], [0], [1], [0, 0, 1, 1], [], []>, transpose_lhs_hint = false} : vector<1024x128xf32>, vector<128x128xf32>, vector<1024x128xf32> -> vector<1024x128xf32>
    %get3A_16 = arith.constant 0 : index
    %get3A_17 = arith.constant 0 : index
    %get3A_18 = vector.load %arg7[%get3A_16, %get3A_17] : memref<1x128xf32, #tpu.memory_space<vmem>>, vector<1x128xf32>
    %add3A_19 = vector.broadcast %get3A_18 : vector<1x128xf32> to vector<1024x128xf32>
    %add3A_20 = arith.addf %dot_general3A_15, %add3A_19 : vector<1024x128xf32>
    %slice3A_21 = vector.extract_strided_slice %get3A_4 {offsets = [128, 0], sizes = [144, 128], strides = [1, 1]} : vector<272x128xf32> to vector<144x128xf32>
    %slice3A_22 = vector.extract_strided_slice %get3A_7 {offsets = [128, 0], sizes = [144, 128], strides = [1, 1]} : vector<272x128xf32> to vector<144x128xf32>
    %mul3A = arith.constant 0.000000e+00 : f32
    %mul3A_23 = vector.broadcast %mul3A : f32 to vector<1024x128xf32>
    %mul3A_24 = arith.mulf %add3A_12, %mul3A_23 : vector<1024x128xf32>
    %get3A_25 = arith.constant 0 : index
    %get3A_26 = arith.constant 0 : index
    %get3A_27 = vector.load %arg2[%get3A_25, %get3A_26] : memref<16384x128xf32, #tpu.memory_space<vmem>>, vector<1024x128xf32>
    %get3A_28 = arith.constant 0 : index
    %get3A_29 = arith.constant 0 : index
    %get3A_30 = vector.load %arg3[%get3A_28, %get3A_29] : memref<256x1024xf32, #tpu.memory_space<vmem>>, vector<16x1024xf32>
    %transpose3A = tpu.transpose %get3A_30, [1, 0] : vector<16x1024xf32> -> vector<1024x16xf32>
    %concatenate3A = tpu.concatenate %get3A_27, %transpose3A in 1 : vector<1024x128xf32>, vector<1024x16xf32> -> vector<1024x144xf32>
    %dot_general3A_31 = arith.constant dense<0.000000e+00> : vector<1024x128xf32>
    %dot_general3A_32 = tpu.matmul %concatenate3A, %slice3A_21, %dot_general3A_31 {dimension_numbers = #tpu.dot_dimension_numbers<[1], [0], [0], [1], [0, 0, 1, 1], [], []>, transpose_lhs_hint = false} : vector<1024x144xf32>, vector<144x128xf32>, vector<1024x128xf32> -> vector<1024x128xf32>
    %add3A_33 = arith.addf %dot_general3A_32, %add3A_12 : vector<1024x128xf32>
    %dot_general3A_34 = arith.constant dense<0.000000e+00> : vector<1024x128xf32>
    %dot_general3A_35 = tpu.matmul %concatenate3A, %slice3A_22, %dot_general3A_34 {dimension_numbers = #tpu.dot_dimension_numbers<[1], [0], [0], [1], [0, 0, 1, 1], [], []>, transpose_lhs_hint = false} : vector<1024x144xf32>, vector<144x128xf32>, vector<1024x128xf32> -> vector<1024x128xf32>
    %add3A_36 = arith.addf %dot_general3A_35, %add3A_20 : vector<1024x128xf32>
    %mul3A_37 = arith.constant 5.000000e-01 : f32
    %mul3A_38 = vector.broadcast %mul3A_37 : f32 to vector<1024x128xf32>
    %mul3A_39 = arith.mulf %add3A_33, %mul3A_38 : vector<1024x128xf32>
    %tanh3A = math.tanh %mul3A_39 : vector<1024x128xf32>
    %mul3A_40 = arith.constant 5.000000e-01 : f32
    %mul3A_41 = vector.broadcast %mul3A_40 : f32 to vector<1024x128xf32>
    %mul3A_42 = arith.mulf %mul3A_41, %tanh3A : vector<1024x128xf32>
    %add3A_43 = arith.constant 5.000000e-01 : f32
    %add3A_44 = vector.broadcast %add3A_43 : f32 to vector<1024x128xf32>
    %add3A_45 = arith.addf %add3A_44, %mul3A_42 : vector<1024x128xf32>
    %tanh3A_46 = math.tanh %add3A_36 : vector<1024x128xf32>
    %mul3A_47 = arith.mulf %add3A_45, %tanh3A_46 : vector<1024x128xf32>
    %add3A_48 = arith.addf %mul3A_24, %mul3A_47 : vector<1024x128xf32>
    %get3A_49 = arith.constant 1024 : index
    %get3A_50 = arith.constant 0 : index
    %get3A_51 = vector.load %arg2[%get3A_49, %get3A_50] : memref<16384x128xf32, #tpu.memory_space<vmem>>, vector<1024x128xf32>
    %get3A_52 = arith.constant 16 : index
    %get3A_53 = arith.constant 0 : index
    %get3A_54 = vector.load %arg3[%get3A_52, %get3A_53] : memref<256x1024xf32, #tpu.memory_space<vmem>>, vector<16x1024xf32>
    %transpose3A_55 = tpu.transpose %get3A_54, [1, 0] : vector<16x1024xf32> -> vector<1024x16xf32>
    %concatenate3A_56 = tpu.concatenate %get3A_51, %transpose3A_55 in 1 : vector<1024x128xf32>, vector<1024x16xf32> -> vector<1024x144xf32>
    %dot_general3A_57 = arith.constant dense<0.000000e+00> : vector<1024x128xf32>
    %dot_general3A_58 = tpu.matmul %concatenate3A_56, %slice3A_21, %dot_general3A_57 {dimension_numbers = #tpu.dot_dimension_numbers<[1], [0], [0], [1], [0, 0, 1, 1], [], []>, transpose_lhs_hint = false} : vector<1024x144xf32>, vector<144x128xf32>, vector<1024x128xf32> -> vector<1024x128xf32>
    %add3A_59 = arith.addf %dot_general3A_58, %add3A_12 : vector<1024x128xf32>
    %dot_general3A_60 = arith.constant dense<0.000000e+00> : vector<1024x128xf32>
    %dot_general3A_61 = tpu.matmul %concatenate3A_56, %slice3A_22, %dot_general3A_60 {dimension_numbers = #tpu.dot_dimension_numbers<[1], [0], [0], [1], [0, 0, 1, 1], [], []>, transpose_lhs_hint = false} : vector<1024x144xf32>, vector<144x128xf32>, vector<1024x128xf32> -> vector<1024x128xf32>
    %add3A_62 = arith.addf %dot_general3A_61, %add3A_20 : vector<1024x128xf32>
    %mul3A_63 = arith.constant 5.000000e-01 : f32
    %mul3A_64 = vector.broadcast %mul3A_63 : f32 to vector<1024x128xf32>
    %mul3A_65 = arith.mulf %add3A_59, %mul3A_64 : vector<1024x128xf32>
    %tanh3A_66 = math.tanh %mul3A_65 : vector<1024x128xf32>
    %mul3A_67 = arith.constant 5.000000e-01 : f32
    %mul3A_68 = vector.broadcast %mul3A_67 : f32 to vector<1024x128xf32>
    %mul3A_69 = arith.mulf %mul3A_68, %tanh3A_66 : vector<1024x128xf32>
    %add3A_70 = arith.constant 5.000000e-01 : f32
    %add3A_71 = vector.broadcast %add3A_70 : f32 to vector<1024x128xf32>
    %add3A_72 = arith.addf %add3A_71, %mul3A_69 : vector<1024x128xf32>
    %tanh3A_73 = math.tanh %add3A_62 : vector<1024x128xf32>
    %mul3A_74 = arith.mulf %add3A_72, %tanh3A_73 : vector<1024x128xf32>
    %add3A_75 = arith.addf %add3A_48, %mul3A_74 : vector<1024x128xf32>
    %get3A_76 = arith.constant 2048 : index
    %get3A_77 = arith.constant 0 : index
    %get3A_78 = vector.load %arg2[%get3A_76, %get3A_77] : memref<16384x128xf32, #tpu.memory_space<vmem>>, vector<1024x128xf32>
    %get3A_79 = arith.constant 32 : index
    %get3A_80 = arith.constant 0 : index
    %get3A_81 = vector.load %arg3[%get3A_79, %get3A_80] : memref<256x1024xf32, #tpu.memory_space<vmem>>, vector<16x1024xf32>
    %transpose3A_82 = tpu.transpose %get3A_81, [1, 0] : vector<16x1024xf32> -> vector<1024x16xf32>
    %concatenate3A_83 = tpu.concatenate %get3A_78, %transpose3A_82 in 1 : vector<1024x128xf32>, vector<1024x16xf32> -> vector<1024x144xf32>
    %dot_general3A_84 = arith.constant dense<0.000000e+00> : vector<1024x128xf32>
    %dot_general3A_85 = tpu.matmul %concatenate3A_83, %slice3A_21, %dot_general3A_84 {dimension_numbers = #tpu.dot_dimension_numbers<[1], [0], [0], [1], [0, 0, 1, 1], [], []>, transpose_lhs_hint = false} : vector<1024x144xf32>, vector<144x128xf32>, vector<1024x128xf32> -> vector<1024x128xf32>
    %add3A_86 = arith.addf %dot_general3A_85, %add3A_12 : vector<1024x128xf32>
    %dot_general3A_87 = arith.constant dense<0.000000e+00> : vector<1024x128xf32>
    %dot_general3A_88 = tpu.matmul %concatenate3A_83, %slice3A_22, %dot_general3A_87 {dimension_numbers = #tpu.dot_dimension_numbers<[1], [0], [0], [1], [0, 0, 1, 1], [], []>, transpose_lhs_hint = false} : vector<1024x144xf32>, vector<144x128xf32>, vector<1024x128xf32> -> vector<1024x128xf32>
    %add3A_89 = arith.addf %dot_general3A_88, %add3A_20 : vector<1024x128xf32>
    %mul3A_90 = arith.constant 5.000000e-01 : f32
    %mul3A_91 = vector.broadcast %mul3A_90 : f32 to vector<1024x128xf32>
    %mul3A_92 = arith.mulf %add3A_86, %mul3A_91 : vector<1024x128xf32>
    %tanh3A_93 = math.tanh %mul3A_92 : vector<1024x128xf32>
    %mul3A_94 = arith.constant 5.000000e-01 : f32
    %mul3A_95 = vector.broadcast %mul3A_94 : f32 to vector<1024x128xf32>
    %mul3A_96 = arith.mulf %mul3A_95, %tanh3A_93 : vector<1024x128xf32>
    %add3A_97 = arith.constant 5.000000e-01 : f32
    %add3A_98 = vector.broadcast %add3A_97 : f32 to vector<1024x128xf32>
    %add3A_99 = arith.addf %add3A_98, %mul3A_96 : vector<1024x128xf32>
    %tanh3A_100 = math.tanh %add3A_89 : vector<1024x128xf32>
    %mul3A_101 = arith.mulf %add3A_99, %tanh3A_100 : vector<1024x128xf32>
    %add3A_102 = arith.addf %add3A_75, %mul3A_101 : vector<1024x128xf32>
    %get3A_103 = arith.constant 3072 : index
    %get3A_104 = arith.constant 0 : index
    %get3A_105 = vector.load %arg2[%get3A_103, %get3A_104] : memref<16384x128xf32, #tpu.memory_space<vmem>>, vector<1024x128xf32>
    %get3A_106 = arith.constant 48 : index
    %get3A_107 = arith.constant 0 : index
    %get3A_108 = vector.load %arg3[%get3A_106, %get3A_107] : memref<256x1024xf32, #tpu.memory_space<vmem>>, vector<16x1024xf32>
    %transpose3A_109 = tpu.transpose %get3A_108, [1, 0] : vector<16x1024xf32> -> vector<1024x16xf32>
    %concatenate3A_110 = tpu.concatenate %get3A_105, %transpose3A_109 in 1 : vector<1024x128xf32>, vector<1024x16xf32> -> vector<1024x144xf32>
    %dot_general3A_111 = arith.constant dense<0.000000e+00> : vector<1024x128xf32>
    %dot_general3A_112 = tpu.matmul %concatenate3A_110, %slice3A_21, %dot_general3A_111 {dimension_numbers = #tpu.dot_dimension_numbers<[1], [0], [0], [1], [0, 0, 1, 1], [], []>, transpose_lhs_hint = false} : vector<1024x144xf32>, vector<144x128xf32>, vector<1024x128xf32> -> vector<1024x128xf32>
    %add3A_113 = arith.addf %dot_general3A_112, %add3A_12 : vector<1024x128xf32>
    %dot_general3A_114 = arith.constant dense<0.000000e+00> : vector<1024x128xf32>
    %dot_general3A_115 = tpu.matmul %concatenate3A_110, %slice3A_22, %dot_general3A_114 {dimension_numbers = #tpu.dot_dimension_numbers<[1], [0], [0], [1], [0, 0, 1, 1], [], []>, transpose_lhs_hint = false} : vector<1024x144xf32>, vector<144x128xf32>, vector<1024x128xf32> -> vector<1024x128xf32>
    %add3A_116 = arith.addf %dot_general3A_115, %add3A_20 : vector<1024x128xf32>
    %mul3A_117 = arith.constant 5.000000e-01 : f32
    %mul3A_118 = vector.broadcast %mul3A_117 : f32 to vector<1024x128xf32>
    %mul3A_119 = arith.mulf %add3A_113, %mul3A_118 : vector<1024x128xf32>
    %tanh3A_120 = math.tanh %mul3A_119 : vector<1024x128xf32>
    %mul3A_121 = arith.constant 5.000000e-01 : f32
    %mul3A_122 = vector.broadcast %mul3A_121 : f32 to vector<1024x128xf32>
    %mul3A_123 = arith.mulf %mul3A_122, %tanh3A_120 : vector<1024x128xf32>
    %add3A_124 = arith.constant 5.000000e-01 : f32
    %add3A_125 = vector.broadcast %add3A_124 : f32 to vector<1024x128xf32>
    %add3A_126 = arith.addf %add3A_125, %mul3A_123 : vector<1024x128xf32>
    %tanh3A_127 = math.tanh %add3A_116 : vector<1024x128xf32>
    %mul3A_128 = arith.mulf %add3A_126, %tanh3A_127 : vector<1024x128xf32>
    %add3A_129 = arith.addf %add3A_102, %mul3A_128 : vector<1024x128xf32>
    %get3A_130 = arith.constant 4096 : index
    %get3A_131 = arith.constant 0 : index
    %get3A_132 = vector.load %arg2[%get3A_130, %get3A_131] : memref<16384x128xf32, #tpu.memory_space<vmem>>, vector<1024x128xf32>
    %get3A_133 = arith.constant 64 : index
    %get3A_134 = arith.constant 0 : index
    %get3A_135 = vector.load %arg3[%get3A_133, %get3A_134] : memref<256x1024xf32, #tpu.memory_space<vmem>>, vector<16x1024xf32>
    %transpose3A_136 = tpu.transpose %get3A_135, [1, 0] : vector<16x1024xf32> -> vector<1024x16xf32>
    %concatenate3A_137 = tpu.concatenate %get3A_132, %transpose3A_136 in 1 : vector<1024x128xf32>, vector<1024x16xf32> -> vector<1024x144xf32>
    %dot_general3A_138 = arith.constant dense<0.000000e+00> : vector<1024x128xf32>
    %dot_general3A_139 = tpu.matmul %concatenate3A_137, %slice3A_21, %dot_general3A_138 {dimension_numbers = #tpu.dot_dimension_numbers<[1], [0], [0], [1], [0, 0, 1, 1], [], []>, transpose_lhs_hint = false} : vector<1024x144xf32>, vector<144x128xf32>, vector<1024x128xf32> -> vector<1024x128xf32>
    %add3A_140 = arith.addf %dot_general3A_139, %add3A_12 : vector<1024x128xf32>
    %dot_general3A_141 = arith.constant dense<0.000000e+00> : vector<1024x128xf32>
    %dot_general3A_142 = tpu.matmul %concatenate3A_137, %slice3A_22, %dot_general3A_141 {dimension_numbers = #tpu.dot_dimension_numbers<[1], [0], [0], [1], [0, 0, 1, 1], [], []>, transpose_lhs_hint = false} : vector<1024x144xf32>, vector<144x128xf32>, vector<1024x128xf32> -> vector<1024x128xf32>
    %add3A_143 = arith.addf %dot_general3A_142, %add3A_20 : vector<1024x128xf32>
    %mul3A_144 = arith.constant 5.000000e-01 : f32
    %mul3A_145 = vector.broadcast %mul3A_144 : f32 to vector<1024x128xf32>
    %mul3A_146 = arith.mulf %add3A_140, %mul3A_145 : vector<1024x128xf32>
    %tanh3A_147 = math.tanh %mul3A_146 : vector<1024x128xf32>
    %mul3A_148 = arith.constant 5.000000e-01 : f32
    %mul3A_149 = vector.broadcast %mul3A_148 : f32 to vector<1024x128xf32>
    %mul3A_150 = arith.mulf %mul3A_149, %tanh3A_147 : vector<1024x128xf32>
    %add3A_151 = arith.constant 5.000000e-01 : f32
    %add3A_152 = vector.broadcast %add3A_151 : f32 to vector<1024x128xf32>
    %add3A_153 = arith.addf %add3A_152, %mul3A_150 : vector<1024x128xf32>
    %tanh3A_154 = math.tanh %add3A_143 : vector<1024x128xf32>
    %mul3A_155 = arith.mulf %add3A_153, %tanh3A_154 : vector<1024x128xf32>
    %add3A_156 = arith.addf %add3A_129, %mul3A_155 : vector<1024x128xf32>
    %get3A_157 = arith.constant 5120 : index
    %get3A_158 = arith.constant 0 : index
    %get3A_159 = vector.load %arg2[%get3A_157, %get3A_158] : memref<16384x128xf32, #tpu.memory_space<vmem>>, vector<1024x128xf32>
    %get3A_160 = arith.constant 80 : index
    %get3A_161 = arith.constant 0 : index
    %get3A_162 = vector.load %arg3[%get3A_160, %get3A_161] : memref<256x1024xf32, #tpu.memory_space<vmem>>, vector<16x1024xf32>
    %transpose3A_163 = tpu.transpose %get3A_162, [1, 0] : vector<16x1024xf32> -> vector<1024x16xf32>
    %concatenate3A_164 = tpu.concatenate %get3A_159, %transpose3A_163 in 1 : vector<1024x128xf32>, vector<1024x16xf32> -> vector<1024x144xf32>
    %dot_general3A_165 = arith.constant dense<0.000000e+00> : vector<1024x128xf32>
    %dot_general3A_166 = tpu.matmul %concatenate3A_164, %slice3A_21, %dot_general3A_165 {dimension_numbers = #tpu.dot_dimension_numbers<[1], [0], [0], [1], [0, 0, 1, 1], [], []>, transpose_lhs_hint = false} : vector<1024x144xf32>, vector<144x128xf32>, vector<1024x128xf32> -> vector<1024x128xf32>
    %add3A_167 = arith.addf %dot_general3A_166, %add3A_12 : vector<1024x128xf32>
    %dot_general3A_168 = arith.constant dense<0.000000e+00> : vector<1024x128xf32>
    %dot_general3A_169 = tpu.matmul %concatenate3A_164, %slice3A_22, %dot_general3A_168 {dimension_numbers = #tpu.dot_dimension_numbers<[1], [0], [0], [1], [0, 0, 1, 1], [], []>, transpose_lhs_hint = false} : vector<1024x144xf32>, vector<144x128xf32>, vector<1024x128xf32> -> vector<1024x128xf32>
    %add3A_170 = arith.addf %dot_general3A_169, %add3A_20 : vector<1024x128xf32>
    %mul3A_171 = arith.constant 5.000000e-01 : f32
    %mul3A_172 = vector.broadcast %mul3A_171 : f32 to vector<1024x128xf32>
    %mul3A_173 = arith.mulf %add3A_167, %mul3A_172 : vector<1024x128xf32>
    %tanh3A_174 = math.tanh %mul3A_173 : vector<1024x128xf32>
    %mul3A_175 = arith.constant 5.000000e-01 : f32
    %mul3A_176 = vector.broadcast %mul3A_175 : f32 to vector<1024x128xf32>
    %mul3A_177 = arith.mulf %mul3A_176, %tanh3A_174 : vector<1024x128xf32>
    %add3A_178 = arith.constant 5.000000e-01 : f32
    %add3A_179 = vector.broadcast %add3A_178 : f32 to vector<1024x128xf32>
    %add3A_180 = arith.addf %add3A_179, %mul3A_177 : vector<1024x128xf32>
    %tanh3A_181 = math.tanh %add3A_170 : vector<1024x128xf32>
    %mul3A_182 = arith.mulf %add3A_180, %tanh3A_181 : vector<1024x128xf32>
    %add3A_183 = arith.addf %add3A_156, %mul3A_182 : vector<1024x128xf32>
    %get3A_184 = arith.constant 6144 : index
    %get3A_185 = arith.constant 0 : index
    %get3A_186 = vector.load %arg2[%get3A_184, %get3A_185] : memref<16384x128xf32, #tpu.memory_space<vmem>>, vector<1024x128xf32>
    %get3A_187 = arith.constant 96 : index
    %get3A_188 = arith.constant 0 : index
    %get3A_189 = vector.load %arg3[%get3A_187, %get3A_188] : memref<256x1024xf32, #tpu.memory_space<vmem>>, vector<16x1024xf32>
    %transpose3A_190 = tpu.transpose %get3A_189, [1, 0] : vector<16x1024xf32> -> vector<1024x16xf32>
    %concatenate3A_191 = tpu.concatenate %get3A_186, %transpose3A_190 in 1 : vector<1024x128xf32>, vector<1024x16xf32> -> vector<1024x144xf32>
    %dot_general3A_192 = arith.constant dense<0.000000e+00> : vector<1024x128xf32>
    %dot_general3A_193 = tpu.matmul %concatenate3A_191, %slice3A_21, %dot_general3A_192 {dimension_numbers = #tpu.dot_dimension_numbers<[1], [0], [0], [1], [0, 0, 1, 1], [], []>, transpose_lhs_hint = false} : vector<1024x144xf32>, vector<144x128xf32>, vector<1024x128xf32> -> vector<1024x128xf32>
    %add3A_194 = arith.addf %dot_general3A_193, %add3A_12 : vector<1024x128xf32>
    %dot_general3A_195 = arith.constant dense<0.000000e+00> : vector<1024x128xf32>
    %dot_general3A_196 = tpu.matmul %concatenate3A_191, %slice3A_22, %dot_general3A_195 {dimension_numbers = #tpu.dot_dimension_numbers<[1], [0], [0], [1], [0, 0, 1, 1], [], []>, transpose_lhs_hint = false} : vector<1024x144xf32>, vector<144x128xf32>, vector<1024x128xf32> -> vector<1024x128xf32>
    %add3A_197 = arith.addf %dot_general3A_196, %add3A_20 : vector<1024x128xf32>
    %mul3A_198 = arith.constant 5.000000e-01 : f32
    %mul3A_199 = vector.broadcast %mul3A_198 : f32 to vector<1024x128xf32>
    %mul3A_200 = arith.mulf %add3A_194, %mul3A_199 : vector<1024x128xf32>
    %tanh3A_201 = math.tanh %mul3A_200 : vector<1024x128xf32>
    %mul3A_202 = arith.constant 5.000000e-01 : f32
    %mul3A_203 = vector.broadcast %mul3A_202 : f32 to vector<1024x128xf32>
    %mul3A_204 = arith.mulf %mul3A_203, %tanh3A_201 : vector<1024x128xf32>
    %add3A_205 = arith.constant 5.000000e-01 : f32
    %add3A_206 = vector.broadcast %add3A_205 : f32 to vector<1024x128xf32>
    %add3A_207 = arith.addf %add3A_206, %mul3A_204 : vector<1024x128xf32>
    %tanh3A_208 = math.tanh %add3A_197 : vector<1024x128xf32>
    %mul3A_209 = arith.mulf %add3A_207, %tanh3A_208 : vector<1024x128xf32>
    %add3A_210 = arith.addf %add3A_183, %mul3A_209 : vector<1024x128xf32>
    %get3A_211 = arith.constant 7168 : index
    %get3A_212 = arith.constant 0 : index
    %get3A_213 = vector.load %arg2[%get3A_211, %get3A_212] : memref<16384x128xf32, #tpu.memory_space<vmem>>, vector<1024x128xf32>
    %get3A_214 = arith.constant 112 : index
    %get3A_215 = arith.constant 0 : index
    %get3A_216 = vector.load %arg3[%get3A_214, %get3A_215] : memref<256x1024xf32, #tpu.memory_space<vmem>>, vector<16x1024xf32>
    %transpose3A_217 = tpu.transpose %get3A_216, [1, 0] : vector<16x1024xf32> -> vector<1024x16xf32>
    %concatenate3A_218 = tpu.concatenate %get3A_213, %transpose3A_217 in 1 : vector<1024x128xf32>, vector<1024x16xf32> -> vector<1024x144xf32>
    %dot_general3A_219 = arith.constant dense<0.000000e+00> : vector<1024x128xf32>
    %dot_general3A_220 = tpu.matmul %concatenate3A_218, %slice3A_21, %dot_general3A_219 {dimension_numbers = #tpu.dot_dimension_numbers<[1], [0], [0], [1], [0, 0, 1, 1], [], []>, transpose_lhs_hint = false} : vector<1024x144xf32>, vector<144x128xf32>, vector<1024x128xf32> -> vector<1024x128xf32>
    %add3A_221 = arith.addf %dot_general3A_220, %add3A_12 : vector<1024x128xf32>
    %dot_general3A_222 = arith.constant dense<0.000000e+00> : vector<1024x128xf32>
    %dot_general3A_223 = tpu.matmul %concatenate3A_218, %slice3A_22, %dot_general3A_222 {dimension_numbers = #tpu.dot_dimension_numbers<[1], [0], [0], [1], [0, 0, 1, 1], [], []>, transpose_lhs_hint = false} : vector<1024x144xf32>, vector<144x128xf32>, vector<1024x128xf32> -> vector<1024x128xf32>
    %add3A_224 = arith.addf %dot_general3A_223, %add3A_20 : vector<1024x128xf32>
    %mul3A_225 = arith.constant 5.000000e-01 : f32
    %mul3A_226 = vector.broadcast %mul3A_225 : f32 to vector<1024x128xf32>
    %mul3A_227 = arith.mulf %add3A_221, %mul3A_226 : vector<1024x128xf32>
    %tanh3A_228 = math.tanh %mul3A_227 : vector<1024x128xf32>
    %mul3A_229 = arith.constant 5.000000e-01 : f32
    %mul3A_230 = vector.broadcast %mul3A_229 : f32 to vector<1024x128xf32>
    %mul3A_231 = arith.mulf %mul3A_230, %tanh3A_228 : vector<1024x128xf32>
    %add3A_232 = arith.constant 5.000000e-01 : f32
    %add3A_233 = vector.broadcast %add3A_232 : f32 to vector<1024x128xf32>
    %add3A_234 = arith.addf %add3A_233, %mul3A_231 : vector<1024x128xf32>
    %tanh3A_235 = math.tanh %add3A_224 : vector<1024x128xf32>
    %mul3A_236 = arith.mulf %add3A_234, %tanh3A_235 : vector<1024x128xf32>
    %add3A_237 = arith.addf %add3A_210, %mul3A_236 : vector<1024x128xf32>
    %get3A_238 = arith.constant 8192 : index
    %get3A_239 = arith.constant 0 : index
    %get3A_240 = vector.load %arg2[%get3A_238, %get3A_239] : memref<16384x128xf32, #tpu.memory_space<vmem>>, vector<1024x128xf32>
    %get3A_241 = arith.constant 128 : index
    %get3A_242 = arith.constant 0 : index
    %get3A_243 = vector.load %arg3[%get3A_241, %get3A_242] : memref<256x1024xf32, #tpu.memory_space<vmem>>, vector<16x1024xf32>
    %transpose3A_244 = tpu.transpose %get3A_243, [1, 0] : vector<16x1024xf32> -> vector<1024x16xf32>
    %concatenate3A_245 = tpu.concatenate %get3A_240, %transpose3A_244 in 1 : vector<1024x128xf32>, vector<1024x16xf32> -> vector<1024x144xf32>
    %dot_general3A_246 = arith.constant dense<0.000000e+00> : vector<1024x128xf32>
    %dot_general3A_247 = tpu.matmul %concatenate3A_245, %slice3A_21, %dot_general3A_246 {dimension_numbers = #tpu.dot_dimension_numbers<[1], [0], [0], [1], [0, 0, 1, 1], [], []>, transpose_lhs_hint = false} : vector<1024x144xf32>, vector<144x128xf32>, vector<1024x128xf32> -> vector<1024x128xf32>
    %add3A_248 = arith.addf %dot_general3A_247, %add3A_12 : vector<1024x128xf32>
    %dot_general3A_249 = arith.constant dense<0.000000e+00> : vector<1024x128xf32>
    %dot_general3A_250 = tpu.matmul %concatenate3A_245, %slice3A_22, %dot_general3A_249 {dimension_numbers = #tpu.dot_dimension_numbers<[1], [0], [0], [1], [0, 0, 1, 1], [], []>, transpose_lhs_hint = false} : vector<1024x144xf32>, vector<144x128xf32>, vector<1024x128xf32> -> vector<1024x128xf32>
    %add3A_251 = arith.addf %dot_general3A_250, %add3A_20 : vector<1024x128xf32>
    %mul3A_252 = arith.constant 5.000000e-01 : f32
    %mul3A_253 = vector.broadcast %mul3A_252 : f32 to vector<1024x128xf32>
    %mul3A_254 = arith.mulf %add3A_248, %mul3A_253 : vector<1024x128xf32>
    %tanh3A_255 = math.tanh %mul3A_254 : vector<1024x128xf32>
    %mul3A_256 = arith.constant 5.000000e-01 : f32
    %mul3A_257 = vector.broadcast %mul3A_256 : f32 to vector<1024x128xf32>
    %mul3A_258 = arith.mulf %mul3A_257, %tanh3A_255 : vector<1024x128xf32>
    %add3A_259 = arith.constant 5.000000e-01 : f32
    %add3A_260 = vector.broadcast %add3A_259 : f32 to vector<1024x128xf32>
    %add3A_261 = arith.addf %add3A_260, %mul3A_258 : vector<1024x128xf32>
    %tanh3A_262 = math.tanh %add3A_251 : vector<1024x128xf32>
    %mul3A_263 = arith.mulf %add3A_261, %tanh3A_262 : vector<1024x128xf32>
    %add3A_264 = arith.addf %add3A_237, %mul3A_263 : vector<1024x128xf32>
    %get3A_265 = arith.constant 9216 : index
    %get3A_266 = arith.constant 0 : index
    %get3A_267 = vector.load %arg2[%get3A_265, %get3A_266] : memref<16384x128xf32, #tpu.memory_space<vmem>>, vector<1024x128xf32>
    %get3A_268 = arith.constant 144 : index
    %get3A_269 = arith.constant 0 : index
    %get3A_270 = vector.load %arg3[%get3A_268, %get3A_269] : memref<256x1024xf32, #tpu.memory_space<vmem>>, vector<16x1024xf32>
    %transpose3A_271 = tpu.transpose %get3A_270, [1, 0] : vector<16x1024xf32> -> vector<1024x16xf32>
    %concatenate3A_272 = tpu.concatenate %get3A_267, %transpose3A_271 in 1 : vector<1024x128xf32>, vector<1024x16xf32> -> vector<1024x144xf32>
    %dot_general3A_273 = arith.constant dense<0.000000e+00> : vector<1024x128xf32>
    %dot_general3A_274 = tpu.matmul %concatenate3A_272, %slice3A_21, %dot_general3A_273 {dimension_numbers = #tpu.dot_dimension_numbers<[1], [0], [0], [1], [0, 0, 1, 1], [], []>, transpose_lhs_hint = false} : vector<1024x144xf32>, vector<144x128xf32>, vector<1024x128xf32> -> vector<1024x128xf32>
    %add3A_275 = arith.addf %dot_general3A_274, %add3A_12 : vector<1024x128xf32>
    %dot_general3A_276 = arith.constant dense<0.000000e+00> : vector<1024x128xf32>
    %dot_general3A_277 = tpu.matmul %concatenate3A_272, %slice3A_22, %dot_general3A_276 {dimension_numbers = #tpu.dot_dimension_numbers<[1], [0], [0], [1], [0, 0, 1, 1], [], []>, transpose_lhs_hint = false} : vector<1024x144xf32>, vector<144x128xf32>, vector<1024x128xf32> -> vector<1024x128xf32>
    %add3A_278 = arith.addf %dot_general3A_277, %add3A_20 : vector<1024x128xf32>
    %mul3A_279 = arith.constant 5.000000e-01 : f32
    %mul3A_280 = vector.broadcast %mul3A_279 : f32 to vector<1024x128xf32>
    %mul3A_281 = arith.mulf %add3A_275, %mul3A_280 : vector<1024x128xf32>
    %tanh3A_282 = math.tanh %mul3A_281 : vector<1024x128xf32>
    %mul3A_283 = arith.constant 5.000000e-01 : f32
    %mul3A_284 = vector.broadcast %mul3A_283 : f32 to vector<1024x128xf32>
    %mul3A_285 = arith.mulf %mul3A_284, %tanh3A_282 : vector<1024x128xf32>
    %add3A_286 = arith.constant 5.000000e-01 : f32
    %add3A_287 = vector.broadcast %add3A_286 : f32 to vector<1024x128xf32>
    %add3A_288 = arith.addf %add3A_287, %mul3A_285 : vector<1024x128xf32>
    %tanh3A_289 = math.tanh %add3A_278 : vector<1024x128xf32>
    %mul3A_290 = arith.mulf %add3A_288, %tanh3A_289 : vector<1024x128xf32>
    %add3A_291 = arith.addf %add3A_264, %mul3A_290 : vector<1024x128xf32>
    %get3A_292 = arith.constant 10240 : index
    %get3A_293 = arith.constant 0 : index
    %get3A_294 = vector.load %arg2[%get3A_292, %get3A_293] : memref<16384x128xf32, #tpu.memory_space<vmem>>, vector<1024x128xf32>
    %get3A_295 = arith.constant 160 : index
    %get3A_296 = arith.constant 0 : index
    %get3A_297 = vector.load %arg3[%get3A_295, %get3A_296] : memref<256x1024xf32, #tpu.memory_space<vmem>>, vector<16x1024xf32>
    %transpose3A_298 = tpu.transpose %get3A_297, [1, 0] : vector<16x1024xf32> -> vector<1024x16xf32>
    %concatenate3A_299 = tpu.concatenate %get3A_294, %transpose3A_298 in 1 : vector<1024x128xf32>, vector<1024x16xf32> -> vector<1024x144xf32>
    %dot_general3A_300 = arith.constant dense<0.000000e+00> : vector<1024x128xf32>
    %dot_general3A_301 = tpu.matmul %concatenate3A_299, %slice3A_21, %dot_general3A_300 {dimension_numbers = #tpu.dot_dimension_numbers<[1], [0], [0], [1], [0, 0, 1, 1], [], []>, transpose_lhs_hint = false} : vector<1024x144xf32>, vector<144x128xf32>, vector<1024x128xf32> -> vector<1024x128xf32>
    %add3A_302 = arith.addf %dot_general3A_301, %add3A_12 : vector<1024x128xf32>
    %dot_general3A_303 = arith.constant dense<0.000000e+00> : vector<1024x128xf32>
    %dot_general3A_304 = tpu.matmul %concatenate3A_299, %slice3A_22, %dot_general3A_303 {dimension_numbers = #tpu.dot_dimension_numbers<[1], [0], [0], [1], [0, 0, 1, 1], [], []>, transpose_lhs_hint = false} : vector<1024x144xf32>, vector<144x128xf32>, vector<1024x128xf32> -> vector<1024x128xf32>
    %add3A_305 = arith.addf %dot_general3A_304, %add3A_20 : vector<1024x128xf32>
    %mul3A_306 = arith.constant 5.000000e-01 : f32
    %mul3A_307 = vector.broadcast %mul3A_306 : f32 to vector<1024x128xf32>
    %mul3A_308 = arith.mulf %add3A_302, %mul3A_307 : vector<1024x128xf32>
    %tanh3A_309 = math.tanh %mul3A_308 : vector<1024x128xf32>
    %mul3A_310 = arith.constant 5.000000e-01 : f32
    %mul3A_311 = vector.broadcast %mul3A_310 : f32 to vector<1024x128xf32>
    %mul3A_312 = arith.mulf %mul3A_311, %tanh3A_309 : vector<1024x128xf32>
    %add3A_313 = arith.constant 5.000000e-01 : f32
    %add3A_314 = vector.broadcast %add3A_313 : f32 to vector<1024x128xf32>
    %add3A_315 = arith.addf %add3A_314, %mul3A_312 : vector<1024x128xf32>
    %tanh3A_316 = math.tanh %add3A_305 : vector<1024x128xf32>
    %mul3A_317 = arith.mulf %add3A_315, %tanh3A_316 : vector<1024x128xf32>
    %add3A_318 = arith.addf %add3A_291, %mul3A_317 : vector<1024x128xf32>
    %get3A_319 = arith.constant 11264 : index
    %get3A_320 = arith.constant 0 : index
    %get3A_321 = vector.load %arg2[%get3A_319, %get3A_320] : memref<16384x128xf32, #tpu.memory_space<vmem>>, vector<1024x128xf32>
    %get3A_322 = arith.constant 176 : index
    %get3A_323 = arith.constant 0 : index
    %get3A_324 = vector.load %arg3[%get3A_322, %get3A_323] : memref<256x1024xf32, #tpu.memory_space<vmem>>, vector<16x1024xf32>
    %transpose3A_325 = tpu.transpose %get3A_324, [1, 0] : vector<16x1024xf32> -> vector<1024x16xf32>
    %concatenate3A_326 = tpu.concatenate %get3A_321, %transpose3A_325 in 1 : vector<1024x128xf32>, vector<1024x16xf32> -> vector<1024x144xf32>
    %dot_general3A_327 = arith.constant dense<0.000000e+00> : vector<1024x128xf32>
    %dot_general3A_328 = tpu.matmul %concatenate3A_326, %slice3A_21, %dot_general3A_327 {dimension_numbers = #tpu.dot_dimension_numbers<[1], [0], [0], [1], [0, 0, 1, 1], [], []>, transpose_lhs_hint = false} : vector<1024x144xf32>, vector<144x128xf32>, vector<1024x128xf32> -> vector<1024x128xf32>
    %add3A_329 = arith.addf %dot_general3A_328, %add3A_12 : vector<1024x128xf32>
    %dot_general3A_330 = arith.constant dense<0.000000e+00> : vector<1024x128xf32>
    %dot_general3A_331 = tpu.matmul %concatenate3A_326, %slice3A_22, %dot_general3A_330 {dimension_numbers = #tpu.dot_dimension_numbers<[1], [0], [0], [1], [0, 0, 1, 1], [], []>, transpose_lhs_hint = false} : vector<1024x144xf32>, vector<144x128xf32>, vector<1024x128xf32> -> vector<1024x128xf32>
    %add3A_332 = arith.addf %dot_general3A_331, %add3A_20 : vector<1024x128xf32>
    %mul3A_333 = arith.constant 5.000000e-01 : f32
    %mul3A_334 = vector.broadcast %mul3A_333 : f32 to vector<1024x128xf32>
    %mul3A_335 = arith.mulf %add3A_329, %mul3A_334 : vector<1024x128xf32>
    %tanh3A_336 = math.tanh %mul3A_335 : vector<1024x128xf32>
    %mul3A_337 = arith.constant 5.000000e-01 : f32
    %mul3A_338 = vector.broadcast %mul3A_337 : f32 to vector<1024x128xf32>
    %mul3A_339 = arith.mulf %mul3A_338, %tanh3A_336 : vector<1024x128xf32>
    %add3A_340 = arith.constant 5.000000e-01 : f32
    %add3A_341 = vector.broadcast %add3A_340 : f32 to vector<1024x128xf32>
    %add3A_342 = arith.addf %add3A_341, %mul3A_339 : vector<1024x128xf32>
    %tanh3A_343 = math.tanh %add3A_332 : vector<1024x128xf32>
    %mul3A_344 = arith.mulf %add3A_342, %tanh3A_343 : vector<1024x128xf32>
    %add3A_345 = arith.addf %add3A_318, %mul3A_344 : vector<1024x128xf32>
    %get3A_346 = arith.constant 12288 : index
    %get3A_347 = arith.constant 0 : index
    %get3A_348 = vector.load %arg2[%get3A_346, %get3A_347] : memref<16384x128xf32, #tpu.memory_space<vmem>>, vector<1024x128xf32>
    %get3A_349 = arith.constant 192 : index
    %get3A_350 = arith.constant 0 : index
    %get3A_351 = vector.load %arg3[%get3A_349, %get3A_350] : memref<256x1024xf32, #tpu.memory_space<vmem>>, vector<16x1024xf32>
    %transpose3A_352 = tpu.transpose %get3A_351, [1, 0] : vector<16x1024xf32> -> vector<1024x16xf32>
    %concatenate3A_353 = tpu.concatenate %get3A_348, %transpose3A_352 in 1 : vector<1024x128xf32>, vector<1024x16xf32> -> vector<1024x144xf32>
    %dot_general3A_354 = arith.constant dense<0.000000e+00> : vector<1024x128xf32>
    %dot_general3A_355 = tpu.matmul %concatenate3A_353, %slice3A_21, %dot_general3A_354 {dimension_numbers = #tpu.dot_dimension_numbers<[1], [0], [0], [1], [0, 0, 1, 1], [], []>, transpose_lhs_hint = false} : vector<1024x144xf32>, vector<144x128xf32>, vector<1024x128xf32> -> vector<1024x128xf32>
    %add3A_356 = arith.addf %dot_general3A_355, %add3A_12 : vector<1024x128xf32>
    %dot_general3A_357 = arith.constant dense<0.000000e+00> : vector<1024x128xf32>
    %dot_general3A_358 = tpu.matmul %concatenate3A_353, %slice3A_22, %dot_general3A_357 {dimension_numbers = #tpu.dot_dimension_numbers<[1], [0], [0], [1], [0, 0, 1, 1], [], []>, transpose_lhs_hint = false} : vector<1024x144xf32>, vector<144x128xf32>, vector<1024x128xf32> -> vector<1024x128xf32>
    %add3A_359 = arith.addf %dot_general3A_358, %add3A_20 : vector<1024x128xf32>
    %mul3A_360 = arith.constant 5.000000e-01 : f32
    %mul3A_361 = vector.broadcast %mul3A_360 : f32 to vector<1024x128xf32>
    %mul3A_362 = arith.mulf %add3A_356, %mul3A_361 : vector<1024x128xf32>
    %tanh3A_363 = math.tanh %mul3A_362 : vector<1024x128xf32>
    %mul3A_364 = arith.constant 5.000000e-01 : f32
    %mul3A_365 = vector.broadcast %mul3A_364 : f32 to vector<1024x128xf32>
    %mul3A_366 = arith.mulf %mul3A_365, %tanh3A_363 : vector<1024x128xf32>
    %add3A_367 = arith.constant 5.000000e-01 : f32
    %add3A_368 = vector.broadcast %add3A_367 : f32 to vector<1024x128xf32>
    %add3A_369 = arith.addf %add3A_368, %mul3A_366 : vector<1024x128xf32>
    %tanh3A_370 = math.tanh %add3A_359 : vector<1024x128xf32>
    %mul3A_371 = arith.mulf %add3A_369, %tanh3A_370 : vector<1024x128xf32>
    %add3A_372 = arith.addf %add3A_345, %mul3A_371 : vector<1024x128xf32>
    %get3A_373 = arith.constant 13312 : index
    %get3A_374 = arith.constant 0 : index
    %get3A_375 = vector.load %arg2[%get3A_373, %get3A_374] : memref<16384x128xf32, #tpu.memory_space<vmem>>, vector<1024x128xf32>
    %get3A_376 = arith.constant 208 : index
    %get3A_377 = arith.constant 0 : index
    %get3A_378 = vector.load %arg3[%get3A_376, %get3A_377] : memref<256x1024xf32, #tpu.memory_space<vmem>>, vector<16x1024xf32>
    %transpose3A_379 = tpu.transpose %get3A_378, [1, 0] : vector<16x1024xf32> -> vector<1024x16xf32>
    %concatenate3A_380 = tpu.concatenate %get3A_375, %transpose3A_379 in 1 : vector<1024x128xf32>, vector<1024x16xf32> -> vector<1024x144xf32>
    %dot_general3A_381 = arith.constant dense<0.000000e+00> : vector<1024x128xf32>
    %dot_general3A_382 = tpu.matmul %concatenate3A_380, %slice3A_21, %dot_general3A_381 {dimension_numbers = #tpu.dot_dimension_numbers<[1], [0], [0], [1], [0, 0, 1, 1], [], []>, transpose_lhs_hint = false} : vector<1024x144xf32>, vector<144x128xf32>, vector<1024x128xf32> -> vector<1024x128xf32>
    %add3A_383 = arith.addf %dot_general3A_382, %add3A_12 : vector<1024x128xf32>
    %dot_general3A_384 = arith.constant dense<0.000000e+00> : vector<1024x128xf32>
    %dot_general3A_385 = tpu.matmul %concatenate3A_380, %slice3A_22, %dot_general3A_384 {dimension_numbers = #tpu.dot_dimension_numbers<[1], [0], [0], [1], [0, 0, 1, 1], [], []>, transpose_lhs_hint = false} : vector<1024x144xf32>, vector<144x128xf32>, vector<1024x128xf32> -> vector<1024x128xf32>
    %add3A_386 = arith.addf %dot_general3A_385, %add3A_20 : vector<1024x128xf32>
    %mul3A_387 = arith.constant 5.000000e-01 : f32
    %mul3A_388 = vector.broadcast %mul3A_387 : f32 to vector<1024x128xf32>
    %mul3A_389 = arith.mulf %add3A_383, %mul3A_388 : vector<1024x128xf32>
    %tanh3A_390 = math.tanh %mul3A_389 : vector<1024x128xf32>
    %mul3A_391 = arith.constant 5.000000e-01 : f32
    %mul3A_392 = vector.broadcast %mul3A_391 : f32 to vector<1024x128xf32>
    %mul3A_393 = arith.mulf %mul3A_392, %tanh3A_390 : vector<1024x128xf32>
    %add3A_394 = arith.constant 5.000000e-01 : f32
    %add3A_395 = vector.broadcast %add3A_394 : f32 to vector<1024x128xf32>
    %add3A_396 = arith.addf %add3A_395, %mul3A_393 : vector<1024x128xf32>
    %tanh3A_397 = math.tanh %add3A_386 : vector<1024x128xf32>
    %mul3A_398 = arith.mulf %add3A_396, %tanh3A_397 : vector<1024x128xf32>
    %add3A_399 = arith.addf %add3A_372, %mul3A_398 : vector<1024x128xf32>
    %get3A_400 = arith.constant 14336 : index
    %get3A_401 = arith.constant 0 : index
    %get3A_402 = vector.load %arg2[%get3A_400, %get3A_401] : memref<16384x128xf32, #tpu.memory_space<vmem>>, vector<1024x128xf32>
    %get3A_403 = arith.constant 224 : index
    %get3A_404 = arith.constant 0 : index
    %get3A_405 = vector.load %arg3[%get3A_403, %get3A_404] : memref<256x1024xf32, #tpu.memory_space<vmem>>, vector<16x1024xf32>
    %transpose3A_406 = tpu.transpose %get3A_405, [1, 0] : vector<16x1024xf32> -> vector<1024x16xf32>
    %concatenate3A_407 = tpu.concatenate %get3A_402, %transpose3A_406 in 1 : vector<1024x128xf32>, vector<1024x16xf32> -> vector<1024x144xf32>
    %dot_general3A_408 = arith.constant dense<0.000000e+00> : vector<1024x128xf32>
    %dot_general3A_409 = tpu.matmul %concatenate3A_407, %slice3A_21, %dot_general3A_408 {dimension_numbers = #tpu.dot_dimension_numbers<[1], [0], [0], [1], [0, 0, 1, 1], [], []>, transpose_lhs_hint = false} : vector<1024x144xf32>, vector<144x128xf32>, vector<1024x128xf32> -> vector<1024x128xf32>
    %add3A_410 = arith.addf %dot_general3A_409, %add3A_12 : vector<1024x128xf32>
    %dot_general3A_411 = arith.constant dense<0.000000e+00> : vector<1024x128xf32>
    %dot_general3A_412 = tpu.matmul %concatenate3A_407, %slice3A_22, %dot_general3A_411 {dimension_numbers = #tpu.dot_dimension_numbers<[1], [0], [0], [1], [0, 0, 1, 1], [], []>, transpose_lhs_hint = false} : vector<1024x144xf32>, vector<144x128xf32>, vector<1024x128xf32> -> vector<1024x128xf32>
    %add3A_413 = arith.addf %dot_general3A_412, %add3A_20 : vector<1024x128xf32>
    %mul3A_414 = arith.constant 5.000000e-01 : f32
    %mul3A_415 = vector.broadcast %mul3A_414 : f32 to vector<1024x128xf32>
    %mul3A_416 = arith.mulf %add3A_410, %mul3A_415 : vector<1024x128xf32>
    %tanh3A_417 = math.tanh %mul3A_416 : vector<1024x128xf32>
    %mul3A_418 = arith.constant 5.000000e-01 : f32
    %mul3A_419 = vector.broadcast %mul3A_418 : f32 to vector<1024x128xf32>
    %mul3A_420 = arith.mulf %mul3A_419, %tanh3A_417 : vector<1024x128xf32>
    %add3A_421 = arith.constant 5.000000e-01 : f32
    %add3A_422 = vector.broadcast %add3A_421 : f32 to vector<1024x128xf32>
    %add3A_423 = arith.addf %add3A_422, %mul3A_420 : vector<1024x128xf32>
    %tanh3A_424 = math.tanh %add3A_413 : vector<1024x128xf32>
    %mul3A_425 = arith.mulf %add3A_423, %tanh3A_424 : vector<1024x128xf32>
    %add3A_426 = arith.addf %add3A_399, %mul3A_425 : vector<1024x128xf32>
    %get3A_427 = arith.constant 15360 : index
    %get3A_428 = arith.constant 0 : index
    %get3A_429 = vector.load %arg2[%get3A_427, %get3A_428] : memref<16384x128xf32, #tpu.memory_space<vmem>>, vector<1024x128xf32>
    %get3A_430 = arith.constant 240 : index
    %get3A_431 = arith.constant 0 : index
    %get3A_432 = vector.load %arg3[%get3A_430, %get3A_431] : memref<256x1024xf32, #tpu.memory_space<vmem>>, vector<16x1024xf32>
    %transpose3A_433 = tpu.transpose %get3A_432, [1, 0] : vector<16x1024xf32> -> vector<1024x16xf32>
    %concatenate3A_434 = tpu.concatenate %get3A_429, %transpose3A_433 in 1 : vector<1024x128xf32>, vector<1024x16xf32> -> vector<1024x144xf32>
    %dot_general3A_435 = arith.constant dense<0.000000e+00> : vector<1024x128xf32>
    %dot_general3A_436 = tpu.matmul %concatenate3A_434, %slice3A_21, %dot_general3A_435 {dimension_numbers = #tpu.dot_dimension_numbers<[1], [0], [0], [1], [0, 0, 1, 1], [], []>, transpose_lhs_hint = false} : vector<1024x144xf32>, vector<144x128xf32>, vector<1024x128xf32> -> vector<1024x128xf32>
    %add3A_437 = arith.addf %dot_general3A_436, %add3A_12 : vector<1024x128xf32>
    %dot_general3A_438 = arith.constant dense<0.000000e+00> : vector<1024x128xf32>
    %dot_general3A_439 = tpu.matmul %concatenate3A_434, %slice3A_22, %dot_general3A_438 {dimension_numbers = #tpu.dot_dimension_numbers<[1], [0], [0], [1], [0, 0, 1, 1], [], []>, transpose_lhs_hint = false} : vector<1024x144xf32>, vector<144x128xf32>, vector<1024x128xf32> -> vector<1024x128xf32>
    %add3A_440 = arith.addf %dot_general3A_439, %add3A_20 : vector<1024x128xf32>
    %mul3A_441 = arith.constant 5.000000e-01 : f32
    %mul3A_442 = vector.broadcast %mul3A_441 : f32 to vector<1024x128xf32>
    %mul3A_443 = arith.mulf %add3A_437, %mul3A_442 : vector<1024x128xf32>
    %tanh3A_444 = math.tanh %mul3A_443 : vector<1024x128xf32>
    %mul3A_445 = arith.constant 5.000000e-01 : f32
    %mul3A_446 = vector.broadcast %mul3A_445 : f32 to vector<1024x128xf32>
    %mul3A_447 = arith.mulf %mul3A_446, %tanh3A_444 : vector<1024x128xf32>
    %add3A_448 = arith.constant 5.000000e-01 : f32
    %add3A_449 = vector.broadcast %add3A_448 : f32 to vector<1024x128xf32>
    %add3A_450 = arith.addf %add3A_449, %mul3A_447 : vector<1024x128xf32>
    %tanh3A_451 = math.tanh %add3A_440 : vector<1024x128xf32>
    %mul3A_452 = arith.mulf %add3A_450, %tanh3A_451 : vector<1024x128xf32>
    %add3A_453 = arith.addf %add3A_426, %mul3A_452 : vector<1024x128xf32>
    %add3A_454 = arith.addf %get3A_1, %add3A_453 : vector<1024x128xf32>
    %swap3A = arith.constant 0 : index
    %swap3A_455 = arith.constant 0 : index
    %swap3A_456 = vector.load %arg8[%swap3A, %swap3A_455] : memref<1024x128xf32, #tpu.memory_space<vmem>>, vector<1024x128xf32>
    tpu.vector_store %arg8[%swap3A, %swap3A_455], %add3A_454 {strides = array<i32>} : memref<1024x128xf32, #tpu.memory_space<vmem>>, vector<1024x128xf32>,
    return
  }
  func.func @transform_0(%arg0: i32) -> (i32, i32) {
    %c0_i32 = arith.constant 0 : i32
    %c0_i32_0 = arith.constant 0 : i32
    return %arg0, %c0_i32 : i32, i32
  }
  func.func @transform_1(%arg0: i32) -> (i32, i32) {
    %c0_i32 = arith.constant 0 : i32
    %c0_i32_0 = arith.constant 0 : i32
    return %arg0, %c0_i32 : i32, i32
  }
  func.func @transform_2(%arg0: i32) -> (i32, i32) {
    %c0_i32 = arith.constant 0 : i32
    %c0_i32_0 = arith.constant 0 : i32
    return %c0_i32, %arg0 : i32, i32
  }
  func.func @transform_3(%arg0: i32) -> (i32, i32) {
    %c0_i32 = arith.constant 0 : i32
    %c0_i32_0 = arith.constant 0 : i32
    %c0_i32_1 = arith.constant 0 : i32
    return %c0_i32, %c0_i32_0 : i32, i32
  }
  func.func @transform_4(%arg0: i32) -> (i32, i32) {
    %c0_i32 = arith.constant 0 : i32
    %c0_i32_0 = arith.constant 0 : i32
    %c0_i32_1 = arith.constant 0 : i32
    return %c0_i32, %c0_i32_0 : i32, i32
  }
  func.func @transform_5(%arg0: i32) -> (i32, i32) {
    %c0_i32 = arith.constant 0 : i32
    %c0_i32_0 = arith.constant 0 : i32
    %c0_i32_1 = arith.constant 0 : i32
    return %c0_i32, %c0_i32_0 : i32, i32
  }
  func.func @transform_6(%arg0: i32) -> (i32, i32) {
    %c0_i32 = arith.constant 0 : i32
    %c0_i32_0 = arith.constant 0 : i32
    %c0_i32_1 = arith.constant 0 : i32
    return %c0_i32, %c0_i32_0 : i32, i32
  }
  func.func @transform_7(%arg0: i32) -> (i32, i32) {
    %c0_i32 = arith.constant 0 : i32
    %c0_i32_0 = arith.constant 0 : i32
    return %arg0, %c0_i32 : i32, i32
  }
}

</mosaic_0001>

<sc_bundles>
// kernel: kernel.4.cloned.1.call-start
scs
__scs_entry_jumppad:
0x0: {  	(pc) =	sbr.rel $0x88, $3  }
0x1: {  	(tag) =	ssettag $0x0;
	lr =	simm.s32 $0x1  }
0x2: {  	[smem:$0x3F9A] =	sst lr;
	_ =	strace $0xD0000000  }
0x3: {  	_ = 	snop  }
0x4: {  	_ = 	snop  }
0x5: {  	_ = 	snop  }
0x6: {  	_ = 	snop  }
0x7: {  	_ = 	snop  }
__scs_overlays_trampoline_lowered:
0x8: {  	[smem:$0x3FA9] =	sst s0  }
0x9: {  	[smem:$0x3FAA] =	sst s1  }
0xa: {  	[smem:$0x3FAB] =	sst s2  }
0xb: {  	[smem:$0x3FAC] =	sst s3  }
0xc: {  	[smem:$0x3FAD] =	sst s4  }
0xd: {  	[smem:$0x3FAE] =	sst s5  }
0xe: {  	[smem:$0x3FAF] =	sst s6  }
0xf: {  	[smem:$0x3FB0] =	sst s7  }
0x10: {  	[smem:$0x3FB1] =	sst s8  }
0x11: {  	[smem:$0x3FB2] =	sst s9;
	s0 =	simm.s32 @!p0 $0x0  }
0x12: {  	s1 =	sld [smem:$0x3F98];
	s0 =	simm.s32 @p0 $0x1  }
0x13: {  	[smem:$0x3FB3] =	sst s0;
	s0 =	simm.s32 @!p1 $0x0  }
0x14: {  	s2 =	sld [smem:$0x3F97];
	s0 =	simm.s32 @p1 $0x1  }
0x15: {  	[smem:$0x3FB4] =	sst s0;
	s0 =	simm.s32 @!p2 $0x0  }
0x16: {  	s3 =	sld [smem:$0x3FDB];
	s0 =	simm.s32 @p2 $0x1  }
0x17: {  	s4 =	simm.s32 $0x1BF5;
	[smem:$0x3FB6] =	sst s0  }
0x18: {  	s0 =	sld [smem:$0x3F99];
	_ =	swait.ge [sflag:s4], $0x0  }
0x19: {  	s7 =	sld [smem:$0x3F9A]  }
0x1a: {  	s8 =	sadd.s32 $0xFFFFE003, lr  }
0x1b: {  	s9 =	sadd.s32 $0xFFFFFEF7, lr;
	s5 =	simm.s32 $0xFFFFFFFF;
	p2 =	slt.u32 s8, $0xFFFFF086  }
0x1c: {  	p1 =	slt.u32 s9, $0xF7A;
	s5 =	simm.s32 @!p2 $0x0  }
0x1d: {  	s5 =	simm.s32 @p1 $0x1;
	p0 =	seq.s32 s7, s2  }
0x1e: {  	s7 =	smul.u32 @!p0 $0xF7A, s2;
	p2 =	seq.s32 @!p0 s5, $0x0  }
0x1f: {  	s9 =	smul.u32 $0xF7A, s1;
	s8 =	simm.s32 @!p0 $0x1BF5;
	p2 =	por !p2, p0  }
0x20: {  	[sflag:s8] =	ssyncset.s32 @!p0 $0xFFFFF086;
	s6 =	sadd.s32 @!p0 s3, s7;
	s7 =	simm.s32 @!p0 $0x108  }
0x21: {  	s3 =	sadd.s32 s3, s9;
	s6 =	sadd.s32 @!p0 $0x88, s6;
	s7 =	simm.s32 @p2 $0x1082  }
0x22: {  	[simem:s7], [sflag:s8] =	dma.local @!p0 [hbm:s6], $0xF7A  }
0x23: {  	s9 =	sor.u32 $0xD0000000, s2;
	s6 =	simm.s32 $0x108;
	_ =	swait.ge @!p0 [sflag:s8], $0x0  }
0x24: {  	s3 =	sadd.s32 $0x88, s3;
	s6 =	simm.s32 @!p1 $0x1082;
	[sflag:s4] =	ssyncset.s32 $0xFFFFF086  }
0x25: {  	[simem:s6], [sflag:s4] =	dma.local [hbm:s3], $0xF7A  }
0x26: {  	[smem:$0x3F9A] =	sst s1;
	(tag) =	ssettag s2;
	_ =	strace s9  }
0x27: {  	s1 =	sld [smem:$0x3FAA]  }
0x28: {  	s2 =	sld [smem:$0x3FAB]  }
0x29: {  	s4 =	sld [smem:$0x3FAD]  }
0x2a: {  	p0 =	seq.s32 s5, $0x0;
	s5 =	sld [smem:$0x3FAE]  }
0x2b: {  	s6 =	sld [smem:$0x3FAF]  }
0x2c: {  	s7 =	sld [smem:$0x3FB0]  }
0x2d: {  	s3 =	simm.s32 $0x108;
	s8 =	sld [smem:$0x3FB1]  }
0x2e: {  	s3 =	simm.s32 @!p0 $0x1082;
	s9 =	sld [smem:$0x3FB2]  }
0x2f: {  	lr =	sadd.s32 s0, s3;
	s0 =	sld [smem:$0x3FA9]  }
0x30: {  	s3 =	sld [smem:$0x3FAC]  }
0x31: {  	[smem:$0x3FB5] =	sst s10  }
0x32: {  	s10 =	sld [smem:$0x3FB3];
	_ =	sdelay $0x3  }
0x33: {  	p0 =	seq.s32 s10, $0x1;
	s10 =	sld [smem:$0x3FB5];
	_ =	sdelay $0x3  }
0x34: {  	[smem:$0x3FB5] =	sst s10  }
0x35: {  	s10 =	sld [smem:$0x3FB4];
	_ =	sdelay $0x3  }
0x36: {  	p1 =	seq.s32 s10, $0x1;
	s10 =	sld [smem:$0x3FB5];
	_ =	sdelay $0x3  }
0x37: {  	[smem:$0x3FB5] =	sst s10  }
0x38: {  	s10 =	sld [smem:$0x3FB6]  }
0x39: {  	_ = 	snop;
	(pc) =	sbr.ind lr, $3  }
0x3a: {  	_ = 	snop  }
0x3b: {  	_ = 	snop  }
0x3c: {  	p2 =	seq.s32 s10, $0x1;
	s10 =	sld [smem:$0x3FB5]  }
0x3d: {  	_ =	shalt  }
0x3e: {  	_ =	shalt  }
0x3f: {  	_ =	shalt  }
0x40: {  	_ =	shalt  }
0x41: {  	_ =	shalt  }
0x42: {  	_ =	shalt  }
0x43: {  	_ =	shalt  }
0x44: {  	_ =	shalt  }
0x45: {  	_ =	shalt  }
0x46: {  	_ =	shalt  }
0x47: {  	_ =	shalt  }
0x48: {  	_ =	shalt  }
0x49: {  	_ =	shalt  }
0x4a: {  	_ =	shalt  }
0x4b: {  	_ =	shalt  }
0x4c: {  	_ =	shalt  }
0x4d: {  	_ =	shalt  }
0x4e: {  	_ =	shalt  }
0x4f: {  	_ =	shalt  }
0x50: {  	_ =	shalt  }
0x51: {  	_ =	shalt  }
0x52: {  	_ =	shalt  }
0x53: {  	_ =	shalt  }
0x54: {  	_ =	shalt  }
0x55: {  	_ =	shalt  }
0x56: {  	_ =	shalt  }
0x57: {  	_ =	shalt  }
0x58: {  	_ =	shalt  }
0x59: {  	_ =	shalt  }
0x5a: {  	_ =	shalt  }
0x5b: {  	_ =	shalt  }
0x5c: {  	_ =	shalt  }
0x5d: {  	_ =	shalt  }
0x5e: {  	_ =	shalt  }
0x5f: {  	_ =	shalt  }
0x60: {  	_ =	shalt  }
0x61: {  	_ =	shalt  }
0x62: {  	_ =	shalt  }
0x63: {  	_ =	shalt  }
0x64: {  	_ =	shalt  }
0x65: {  	_ =	shalt  }
0x66: {  	_ =	shalt  }
0x67: {  	_ =	shalt  }
0x68: {  	_ =	shalt  }
0x69: {  	_ =	shalt  }
0x6a: {  	_ =	shalt  }
0x6b: {  	_ =	shalt  }
0x6c: {  	_ =	shalt  }
0x6d: {  	_ =	shalt  }
0x6e: {  	_ =	shalt  }
0x6f: {  	_ =	shalt  }
0x70: {  	_ =	shalt  }
0x71: {  	_ =	shalt  }
0x72: {  	_ =	shalt  }
0x73: {  	_ =	shalt  }
0x74: {  	_ =	shalt  }
0x75: {  	_ =	shalt  }
0x76: {  	_ =	shalt  }
0x77: {  	_ =	shalt  }
0x78: {  	_ =	shalt  }
0x79: {  	_ =	shalt  }
0x7a: {  	_ =	shalt  }
0x7b: {  	_ =	shalt  }
0x7c: {  	_ =	shalt  }
0x7d: {  	_ =	shalt  }
0x7e: {  	_ =	shalt  }
0x7f: {  	_ =	shalt  }
0x80: {  	_ =	shalt  }
0x81: {  	_ =	shalt  }
0x82: {  	_ =	shalt  }
0x83: {  	_ =	shalt  }
0x84: {  	_ =	shalt  }
0x85: {  	_ =	shalt  }
0x86: {  	_ =	shalt  }
0x87: {  	_ =	shalt  }
.Lfunc_end0:
.L_simem_size_0:
called_computation_lowered:
.L_overlay_start_0:
0x88: {  	s2 =	sld [smem:$0x3FD9]  }
0x89: {  	s3 =	sld [smem:$0x3FFE];
	_ =	sdelay $0x1  }
0x8a: {  	s1 =	srdreg.scid  }
0x8b: {  	s0 =	sand.u32 $0x1, s1  }
0x8c: {  	s17 =	sshll.u32 s0, $0xA;
	s2 =	sadd.s32 s3, s2  }
0x8d: {  	s2 =	sadd.s32 s2, s17  }
0x8e: {  	[smem:$0x3FC1] =	sst s2  }
0x8f: {  	_ = 	snop  }
0x90: {  	s2 =	sld [smem:$0x3FC9]  }
0x91: {  	s18 =	sld [smem:$0x3FD0];
	(tm) =	ssettm $0x1  }
0x92: {  	s4 =	sld [smem:$0x3FFB];
	_ =	sdelay $0x3  }
0x93: {  	_ =	strace s4  }
0x94: {  	s4 =	sld [smem:$0x3FFC];
	_ =	sdelay $0x3  }
0x95: {  	_ =	strace s4  }
0x96: {  	s4 =	sld [smem:$0x3FFD];
	_ =	sdelay $0x3  }
0x97: {  	_ =	strace s4  }
0x98: {  	_ =	strace $0x8FFFFFFF  }
0x99: {  	s19 =	sld [smem:$0x3FDB];
	_ =	sdelay $0x1  }
0x9a: {  	s5 =	simm.s32 $_scs_section_size  }
0x9b: {  	s6 =	simm.s32 $_size__tile_overlayer_lowered;
	s7 =	simm.s32 $_tile_overlayer_lowered  }
0x9c: {  	s22 =	simm.s32 $0x1BFF;
	s21 =	sshll.u32 s7, $0x1;
	s4 =	sadd.s32 s5, s19  }
0x9d: {  	s8 =	simm.s32 $0x0;
	s20 =	sshll.u32 s6, $0x1;
	s6 =	sadd.s32 s21, s4  }
0x9e: {  	[timem:s8], [sflag:s22] =	dma.local [hbm:s6], s20  }
0x9f: {  	_ =	swait.ge [sflag:s22], s20  }
0xa0: {  	s5 =	ssub.s32 $0x0, s20;
	[sflag:s22] =	ssyncset.done $0x0  }
0xa1: {  	[sflag:s22] =	ssyncadd.s32 s5;
	_ =	sdelay $0x1  }
0xa2: {  	s23 =	simm.s32 $0x1B8B  }
0xa3: {  	_ =	swait.ge [sflag:s23], $0x1  }
0xa4: {  	[sflag:s23] =	ssyncset.done $0x0  }
0xa5: {  	s25 =	simm.s32 $0x1B8E;
	s24 =	sld [smem:$0x3FFE];
	[sflag:s23] =	ssyncadd.s32 $0xFFFFFFFF  }
0xa6: {  	s26 =	simm.s32 $execute0_lowered;
	[smem:$0x3FD2] =	sst s25  }
0xa7: {  	s6 =	sshll.u32 s26, $0x1;
	_ =	strace $0x80000046;
	[dreg:$0x1] =	wrdreg $0xFFFFFFFF  }
0xa8: {  	s28 =	simm.s32 $_size_execute0_lowered;
	s4 =	sadd.s32 s4, s6;
	[dreg:$0x0] =	wrdreg $0x0  }
0xa9: {  	s6 =	sshll.u32 s28, $0x1;
	[dreg:$0x2] =	wrdreg s4  }
0xaa: {  	[dreg:$0x3] =	wrdreg s6  }
0xab: {  	[dreg:$0x4] =	wrdreg $0xC0  }
0xac: {  	_ =	task [dreg:s8], $0x5FFFF  }
0xad: {  	[dreg:$0x1] =	wrdreg $0xFFFFFFFF  }
0xae: {  	[dreg:$0x0] =	wrdreg $0x60  }
0xaf: {  	[dreg:$0x2] =	wrdreg s2  }
0xb0: {  	[dreg:$0x3] =	wrdreg s18  }
0xb1: {  	[dreg:$0x4] =	wrdreg s24  }
0xb2: {  	[dreg:$0x5] =	wrdreg $0x9  }
0xb3: {  	_ =	task.clear_ibuf [dreg:s8], $0x6FFFF;
	_ =	strace $0x90000046  }
0xb4: {  	s29 =	simm.s32 $0x9;
	_ =	strace $0x80000048  }
0xb5: {  	_ =	swait.ge [sflag:s29], $0x1  }
0xb6: {  	[sflag:s29] =	ssyncadd.s32 $0xFFFFFFFF  }
0xb7: {  	_ =	strace $0x90000048  }
0xb8: {  	_ =	sfence  }
0xb9: {  	s30 =	sld [smem:$0x0];
	_ =	sdelay $0x2  }
0xba: {  	s31 =	sshll.u32 s1, $0xD;
	s1 =	sshrl.u32 s1, $0x2  }
0xbb: {  	s3 =	sand.u32 $0x4000, s31;
	s1 =	sadd.s32 s1, s30  }
0xbc: {  	s0 =	sor.u32 s3, s0;
	s1 =	sshll.u32 s1, $0x11  }
0xbd: {  	s0 =	sor.u32 s1, s0  }
0xbe: {  	s0 =	sadd.s32 $0x8F2B, s0  }
0xbf: {  	[sflag:s0] =	ssyncadd.remote.s32 $0x1  }
0xc0: {  	_ =	sfence.sel $0xFFFF  }
0xc1: {  	[dreg:$0x0] =	wrdreg $0xFFFFFFFF;
	(pc) =	sbr.abs _section_cstart, $3  }
0xc2: {  	[dreg:$0x1] =	wrdreg $0xFFFFFFFF  }
0xc3: {  	_ =	task.clear_ibuf [dreg:s8], $0x2FFFF;
	_ =	strace $0x9FFFFFFF  }
0xc4: {  	(tm) =	ssettm $0x7FFFFFFF  }
0xc5: {  	_ =	shalt  }
tec
execute0_lowered:
.L_overlay_start_1:
0x0: {  	(tag) =	ssettag $0x1  }
0x1: {  	s1 =	rddreg [dreg:$0x0]  }
0x2: {  	s6 =	rddreg [dreg:$0x1]  }
0x3: {  	s4 =	rddreg [dreg:$0x2]  }
0x4: {  	s0 =	rddreg [dreg:$0x3]  }
0x5: {  	s5 =	srdreg.scid;
	s2 =	stileid.u32  }
0x6: {  	s3 =	simm.s32 $0x0;
	s30 =	simm.s32 $0x80;
	s10 =	simm.s32 $0x1400  }
0x7: {  	s11 =	simm.s32 $0x5400;
	s31 =	simm.s32 $0x9400;
	s12 =	simm.s32 $0x3  }
0x8: {  	s13 =	simm.s32 $0x4;
	s14 =	simm.s32 $0x5;
	[smem:$0x7FF] =	sst s3  }
0x9: {  	s15 =	simm.s32 $0x0;
	_ =	strace $0x80000047;
	[dreg:$0x4] =	wrdreg s30  }
0xa: {  	s5 =	sand.u32 $0x1, s5;
	s7 =	sshll.u32 s2, $0x1;
	[dreg:$0x5] =	wrdreg s10  }
0xb: {  	s4 =	sadd.s32 $0x2000, s4;
	s8 =	ssub.s32 $0x2, s5;
	[dreg:$0x6] =	wrdreg s11  }
0xc: {  	s5 =	sor.u32 s5, s7;
	s10 =	simm.s32 $0x1;
	[dreg:$0x7] =	wrdreg s31  }
0xd: {  	s11 =	simm.s32 $0x2;
	s29 =	sshrl.u32 s8, $0x1;
	s9 =	smul.u32 $0x280, s5  }
0xe: {  	s5 =	smul.u32 $0x28, s5;
	s7 =	ssub.s32 s8, s29;
	s8 =	simm.s32 $0x6  }
0xf: {  	s6 =	sadd.s32 s6, s9;
	s7 =	smax.u32 s7, $0x1;
	s9 =	simm.s32 $0xD400  }
.LBB2_1:
0x10: {  	[tilespmem:s3], [sflag:$0x6] =	stream.linear.gather [hbm4b:s6+s3], $0x1400, $0x38;
	[tilespmem:$0x11400] =	vst v63  }
0x11: {  	_ =	swait.ge [sflag:s8], $0x1400  }
0x12: {  	p0 =	por $0x0, $0x0;
	[sflag:s8] =	ssyncset.done $0x0  }
0x13: {  	s16 =	simm.s32 @p0 $0x2;
	[sflag:s8] =	ssyncadd.s32 $0xFFFFEC00  }
0x14: {  	_ =	swait.ge @p0 [sflag:s16], $0x4000  }
0x15: {  	s17 =	simm.s32 @p0 $0x80;
	[sflag:s16] =	ssyncset.done @p0 $0x0  }
0x16: {  	s18 =	simm.s32 @p0 $0x1400;
	[sflag:s16] =	ssyncadd.s32 @p0 $0xFFFFC000;
	s16 =	simm.s32 @p0 $0x3  }
0x17: {  	[tilespmem:s18], [sflag:$0x1] =	stream.indirect.gather @p0 [hbm4b:s1+s17], $0x80, s3, s17, $0xb8;
	[tilespmem:$0x11400] =	vst v63  }
0x18: {  	_ =	swait.ge @p0 [sflag:s16], $0x4000  }
0x19: {  	s19 =	simm.s32 @p0 $0x5400;
	[sflag:s16] =	ssyncset.done @p0 $0x0  }
0x1a: {  	s18 =	simm.s32 @p0 $0x80;
	[sflag:s16] =	ssyncadd.s32 @p0 $0xFFFFC000;
	s16 =	simm.s32 @p0 $0x4  }
0x1b: {  	[tilespmem:s19], [sflag:$0x1] =	stream.indirect.gather @p0 [hbm4b:s1+s17], $0x80, s18, s17, $0xb8;
	[tilespmem:$0x11400] =	vst v63  }
0x1c: {  	_ =	swait.ge @p0 [sflag:s16], $0x4000  }
0x1d: {  	s20 =	simm.s32 @!p0 $0x5400;
	[sflag:s16] =	ssyncset.done @p0 $0x0  }
0x1e: {  	s18 =	simm.s32 @p0 $0x100;
	s19 =	simm.s32 @p0 $0x9400;
	[sflag:s16] =	ssyncadd.s32 @p0 $0xFFFFC000  }
0x1f: {  	[tilespmem:s19], [sflag:$0x1] =	stream.indirect.gather @p0 [hbm4b:s1+s17], $0x80, s18, s17, $0xb8;
	[tilespmem:$0x11400] =	vst v63  }
0x20: {  	s21 =	simm.s32 @!p0 $0x9400;
	s16 =	simm.s32 @p0 $0x5;
	s17 =	simm.s32 $0x3  }
0x21: {  	s18 =	simm.s32 @!p0 $0x80;
	_ =	swait.ge @p0 [sflag:s16], $0x4000;
	s17 =	simm.s32 @!p0 $0x3  }
0x22: {  	s19 =	simm.s32 @!p0 $0x0;
	[sflag:s16] =	ssyncset.done @p0 $0x0;
	s31 =	sshll.u32 s17, $0x7  }
0x23: {  	s22 =	rddreg [dreg:$0x4];
	[sflag:s16] =	ssyncadd.s32 @p0 $0xFFFFC000;
	s16 =	simm.s32 @!p0 $0x1400  }
0x24: {  	[tilespmem:s16], [sflag:$0x1] =	stream.indirect.gather @!p0 [hbm4b:s1+s18], $0x80, s19, s18, $0xb8;
	[tilespmem:$0x11400] =	vst v63  }
0x25: {  	s30 =	sadd.s32 s5, s17;
	s17 =	simm.s32 $0x7;
	s16 =	simm.s32 @p0 $0x0  }
0x26: {  	[tilespmem:s20], [sflag:$0x1] =	stream.indirect.gather @!p0 [hbm4b:s1+s18], $0x80, s18, s18, $0xb8;
	[tilespmem:$0x11400] =	vst v63  }
0x27: {  	s19 =	simm.s32 @p0 $0x1;
	s16 =	simm.s32 @!p0 $0x0;
	s20 =	simm.s32 @!p0 $0x100  }
0x28: {  	[tilespmem:s21], [sflag:$0x1] =	stream.indirect.gather @!p0 [hbm4b:s1+s18], $0x80, s20, s18, $0xb8;
	[tilespmem:$0x11400] =	vst v63  }
0x29: {  	s23 =	sand.u32 $0x3FFFFF80, s31;
	s19 =	simm.s32 @!p0 $0x1;
	s16 =	sadd.s32 s5, s16  }
0x2a: {  	[tilespmem:s9], [sflag:$0x1] =	stream.indirect.gather [hbm4b:s1+s22], $0x80, s23, s22, $0xb8;
	[tilespmem:$0x11400] =	vst v63  }
0x2b: {  	s25 =	sadd.s32 s5, s19;
	s16 =	sshll.u32 s16, $0xB;
	_ =	swait.ge [sflag:s10], $0x4000  }
0x2c: {  	s19 =	simm.s32 @p0 $0x2;
	s16 =	sand.u32 $0x1FFFE000, s16;
	[sflag:s10] =	ssyncset.done $0x0  }
0x2d: {  	s16 =	sadd.s32 s4, s16;
	s24 =	rddreg [dreg:$0x5];
	[sflag:s10] =	ssyncadd.s32 $0xFFFFC000  }
0x2e: {  	[hbm4b:s16+s3] =	stream.linear.scatter [tilespmem:s24], [sflag:$0x2], $0x4000, $0x38;
	[tilespmem:$0x11400] =	vst v63  }
0x2f: {  	s19 =	simm.s32 @!p0 $0x2;
	s16 =	sshll.u32 s25, $0xB;
	_ =	swait.ge [sflag:s10], $0x4000  }
0x30: {  	s28 =	sadd.s32 s5, s19;
	s16 =	sand.u32 $0x1FFFE800, s16;
	[sflag:s10] =	ssyncset.done $0x0  }
0x31: {  	s26 =	rddreg [dreg:$0x6];
	s16 =	sadd.s32 s4, s16;
	[sflag:s10] =	ssyncadd.s32 $0xFFFFC000  }
0x32: {  	[hbm4b:s16+s3] =	stream.linear.scatter [tilespmem:s26], [sflag:$0x3], $0x4000, $0x38;
	[tilespmem:$0x11400] =	vst v63  }
0x33: {  	s31 =	sshll.u32 s30, $0xB;
	s16 =	sshll.u32 s28, $0xB;
	_ =	swait.ge [sflag:s10], $0x4000  }
0x34: {  	s18 =	simm.s32 $0xB;
	s16 =	sand.u32 $0x1FFFF000, s16;
	[sflag:s10] =	ssyncset.done $0x0  }
0x35: {  	s29 =	rddreg [dreg:$0x7];
	s16 =	sadd.s32 s4, s16;
	[sflag:s10] =	ssyncadd.s32 $0xFFFFC000  }
0x36: {  	[hbm4b:s16+s3] =	stream.linear.scatter [tilespmem:s29], [sflag:$0x4], $0x4000, $0x38;
	[tilespmem:$0x11400] =	vst v63  }
0x37: {  	p0 =	por $0x1, $0x1;
	s23 =	sand.u32 $0x1FFFF800, s31;
	s16 =	simm.s32 $0x200  }
.LBB2_2:
0x38: {  	_ =	swait.ge [sflag:s10], $0x4000  }
0x39: {  	[sflag:s10] =	ssyncset.done $0x0  }
0x3a: {  	s22 =	simm.s32 @p0 $0x2;
	s23 =	sadd.s32 s4, s23;
	[sflag:s10] =	ssyncadd.s32 $0xFFFFC000  }
0x3b: {  	[hbm4b:s23+s3] =	stream.linear.scatter [tilespmem:s9], [sflag:$0x5], $0x4000, $0x38;
	[tilespmem:$0x11400] =	vst v63  }
0x3c: {  	s24 =	sadd.s32 @p0 $0xFFFFFFFD, s17;
	_ =	swait.ge @p0 [sflag:s22], $0x4000  }
0x3d: {  	s25 =	simm.s32 @p0 $0x1400;
	s28 =	simm.s32 @p0 $0x3;
	[sflag:s22] =	ssyncset.done @p0 $0x0  }
0x3e: {  	s24 =	simm.s32 @!p0 $0x0;
	s23 =	simm.s32 @p0 $0x80;
	[sflag:s22] =	ssyncadd.s32 @p0 $0xFFFFC000  }
0x3f: {  	[tilespmem:s25], [sflag:$0x1] =	stream.indirect.gather @p0 [hbm4b:s1+s23], $0x80, s16, s23, $0xb8;
	[tilespmem:$0x11400] =	vst v63  }
0x40: {  	s24 =	sadd.s32 s5, s24;
	_ =	swait.ge @p0 [sflag:s28], $0x4000  }
0x41: {  	s29 =	sshll.u32 s24, $0xB;
	s24 =	sadd.s32 @p0 $0x80, s16;
	[sflag:s28] =	ssyncset.done @p0 $0x0  }
0x42: {  	s25 =	simm.s32 @p0 $0x5400;
	[sflag:s28] =	ssyncadd.s32 @p0 $0xFFFFC000;
	s28 =	simm.s32 @p0 $0x4  }
0x43: {  	[tilespmem:s25], [sflag:$0x1] =	stream.indirect.gather @p0 [hbm4b:s1+s23], $0x80, s24, s23, $0xb8;
	[tilespmem:$0x11400] =	vst v63  }
0x44: {  	s21 =	smov.u32 s17;
	_ =	swait.ge @p0 [sflag:s28], $0x4000  }
0x45: {  	s19 =	smov.u32 s18;
	s24 =	sadd.s32 @p0 $0x100, s16;
	[sflag:s28] =	ssyncset.done @p0 $0x0  }
0x46: {  	s25 =	simm.s32 @p0 $0x9400;
	[sflag:s28] =	ssyncadd.s32 @p0 $0xFFFFC000;
	s28 =	simm.s32 @p0 $0x5  }
0x47: {  	[tilespmem:s25], [sflag:$0x1] =	stream.indirect.gather @p0 [hbm4b:s1+s23], $0x80, s24, s23, $0xb8;
	[tilespmem:$0x11400] =	vst v63  }
0x48: {  	s26 =	sadd.s32 @p0 $0xFFFFFFFE, s17;
	s17 =	sadd.s32 @p0 $0xFFFFFFFF, s17;
	_ =	swait.ge @p0 [sflag:s28], $0x4000  }
0x49: {  	s18 =	sadd.s32 $0x4, s18;
	s23 =	simm.s32 @!p0 $0x80;
	[sflag:s28] =	ssyncset.done @p0 $0x0  }
0x4a: {  	s24 =	simm.s32 @!p0 $0x0;
	s25 =	simm.s32 @!p0 $0x1400;
	[sflag:s28] =	ssyncadd.s32 @p0 $0xFFFFC000  }
0x4b: {  	[tilespmem:s25], [sflag:$0x1] =	stream.indirect.gather @!p0 [hbm4b:s1+s23], $0x80, s24, s23, $0xb8;
	[tilespmem:$0x11400] =	vst v63  }
0x4c: {  	s21 =	simm.s32 @!p0 $0x3;
	s26 =	simm.s32 @!p0 $0x1;
	s24 =	simm.s32 @!p0 $0x5400  }
0x4d: {  	[tilespmem:s24], [sflag:$0x1] =	stream.indirect.gather @!p0 [hbm4b:s1+s23], $0x80, s23, s23, $0xb8;
	[tilespmem:$0x11400] =	vst v63  }
0x4e: {  	s20 =	sshll.u32 s21, $0x7;
	s25 =	simm.s32 @!p0 $0x9400;
	s24 =	simm.s32 @!p0 $0x100  }
0x4f: {  	[tilespmem:s25], [sflag:$0x1] =	stream.indirect.gather @!p0 [hbm4b:s1+s23], $0x80, s24, s23, $0xb8;
	[tilespmem:$0x11400] =	vst v63  }
0x50: {  	s17 =	simm.s32 @!p0 $0x2;
	s20 =	sand.u32 $0x3FFFFF80, s20;
	s30 =	rddreg [dreg:$0x4]  }
0x51: {  	[tilespmem:s9], [sflag:$0x1] =	stream.indirect.gather [hbm4b:s1+s30], $0x80, s20, s30, $0xb8;
	[tilespmem:$0x11400] =	vst v63  }
0x52: {  	s26 =	sadd.s32 s5, s26;
	s21 =	sadd.s32 s5, s21;
	_ =	swait.ge [sflag:s10], $0x4000  }
0x53: {  	s31 =	sshll.u32 s21, $0xB;
	s22 =	sand.u32 $0x1FFFE000, s29;
	[sflag:s10] =	ssyncset.done $0x0  }
0x54: {  	s25 =	sadd.s32 s4, s22;
	s21 =	rddreg [dreg:$0x5];
	[sflag:s10] =	ssyncadd.s32 $0xFFFFC000  }
0x55: {  	[hbm4b:s25+s3] =	stream.linear.scatter [tilespmem:s21], [sflag:$0x2], $0x4000, $0x38;
	[tilespmem:$0x11400] =	vst v63  }
0x56: {  	p1 =	sne.s32 s18, $0x2B;
	s26 =	sshll.u32 s26, $0xB;
	_ =	swait.ge [sflag:s10], $0x4000  }
0x57: {  	s17 =	sadd.s32 s5, s17;
	s26 =	sand.u32 $0x1FFFE800, s26;
	[sflag:s10] =	ssyncset.done $0x0  }
0x58: {  	s29 =	sadd.s32 s4, s26;
	s28 =	rddreg [dreg:$0x6];
	[sflag:s10] =	ssyncadd.s32 $0xFFFFC000  }
0x59: {  	[hbm4b:s29+s3] =	stream.linear.scatter [tilespmem:s28], [sflag:$0x3], $0x4000, $0x38;
	[tilespmem:$0x11400] =	vst v63  }
.Ltmp0:
0x5a: {  	s17 =	sshll.u32 s17, $0xB;
	s16 =	sadd.s32 $0x200, s16;
	(pc) =	sbr.rel @p1 .LBB2_2-.Ltmp0, $4  }
0x5b: {  	s24 =	sand.u32 $0x1FFFF000, s17;
	s23 =	sand.u32 $0x1FFFF800, s31;
	_ =	swait.ge [sflag:s10], $0x4000  }
0x5c: {  	s17 =	smov.u32 s19;
	s31 =	sadd.s32 s4, s24;
	[sflag:s10] =	ssyncset.done $0x0  }
0x5d: {  	p0 =	sne.s32 s17, $0x3;
	s30 =	rddreg [dreg:$0x7];
	[sflag:s10] =	ssyncadd.s32 $0xFFFFC000  }
0x5e: {  	[hbm4b:s31+s3] =	stream.linear.scatter [tilespmem:s30], [sflag:$0x4], $0x4000, $0x38;
	[tilespmem:$0x11400] =	vst v63  }
0x5f: {  	_ =	swait.ge [sflag:s10], $0x4000  }
0x60: {  	[sflag:s10] =	ssyncset.done $0x0  }
0x61: {  	s18 =	simm.s32 @p0 $0x2;
	s19 =	sadd.s32 s4, s23;
	[sflag:s10] =	ssyncadd.s32 $0xFFFFC000  }
0x62: {  	[hbm4b:s19+s3] =	stream.linear.scatter [tilespmem:s9], [sflag:$0x5], $0x4000, $0x38;
	[tilespmem:$0x11400] =	vst v63  }
0x63: {  	_ =	swait.ge @p0 [sflag:s18], $0x4000  }
0x64: {  	s20 =	simm.s32 @p0 $0x1400;
	[sflag:s18] =	ssyncset.done @p0 $0x0  }
0x65: {  	s19 =	simm.s32 @p0 $0x80;
	[sflag:s18] =	ssyncadd.s32 @p0 $0xFFFFC000;
	s18 =	simm.s32 @p0 $0x3  }
0x66: {  	[tilespmem:s20], [sflag:$0x1] =	stream.indirect.gather @p0 [hbm4b:s1+s19], $0x80, s16, s19, $0xb8;
	[tilespmem:$0x11400] =	vst v63  }
0x67: {  	_ =	swait.ge @p0 [sflag:s18], $0x4000  }
0x68: {  	s21 =	simm.s32 @p0 $0x5400;
	[sflag:s18] =	ssyncset.done @p0 $0x0  }
0x69: {  	s20 =	sadd.s32 @p0 $0x80, s16;
	[sflag:s18] =	ssyncadd.s32 @p0 $0xFFFFC000;
	s18 =	simm.s32 @p0 $0x4  }
0x6a: {  	[tilespmem:s21], [sflag:$0x1] =	stream.indirect.gather @p0 [hbm4b:s1+s19], $0x80, s20, s19, $0xb8;
	[tilespmem:$0x11400] =	vst v63  }
0x6b: {  	_ =	swait.ge @p0 [sflag:s18], $0x4000  }
0x6c: {  	s22 =	simm.s32 @!p0 $0x9400;
	s16 =	sadd.s32 @p0 $0x100, s16;
	[sflag:s18] =	ssyncset.done @p0 $0x0  }
0x6d: {  	s20 =	simm.s32 @p0 $0x9400;
	[sflag:s18] =	ssyncadd.s32 @p0 $0xFFFFC000;
	s18 =	simm.s32 @p0 $0x5  }
0x6e: {  	[tilespmem:s20], [sflag:$0x1] =	stream.indirect.gather @p0 [hbm4b:s1+s19], $0x80, s16, s19, $0xb8;
	[tilespmem:$0x11400] =	vst v63  }
0x6f: {  	s21 =	simm.s32 @!p0 $0x5400;
	s16 =	smov.u32 s17;
	_ =	swait.ge @p0 [sflag:s18], $0x4000  }
0x70: {  	s19 =	simm.s32 @!p0 $0x80;
	s20 =	simm.s32 @!p0 $0x0;
	[sflag:s18] =	ssyncset.done @p0 $0x0  }
0x71: {  	s16 =	simm.s32 @!p0 $0x3;
	[sflag:s18] =	ssyncadd.s32 @p0 $0xFFFFC000;
	s18 =	simm.s32 @!p0 $0x1400  }
0x72: {  	[tilespmem:s18], [sflag:$0x1] =	stream.indirect.gather @!p0 [hbm4b:s1+s19], $0x80, s20, s19, $0xb8;
	[tilespmem:$0x11400] =	vst v63  }
0x73: {  	s24 =	sshll.u32 s16, $0x7;
	s25 =	rddreg [dreg:$0x4];
	s18 =	sadd.s32 @p0 $0xFFFFFFFD, s17  }
0x74: {  	[tilespmem:s21], [sflag:$0x1] =	stream.indirect.gather @!p0 [hbm4b:s1+s19], $0x80, s19, s19, $0xb8;
	[tilespmem:$0x11400] =	vst v63  }
0x75: {  	s26 =	sand.u32 $0x3FFFFF80, s24;
	s18 =	simm.s32 @!p0 $0x0;
	s21 =	simm.s32 @!p0 $0x100  }
0x76: {  	[tilespmem:s22], [sflag:$0x1] =	stream.indirect.gather @!p0 [hbm4b:s1+s19], $0x80, s21, s19, $0xb8;
	[tilespmem:$0x11400] =	vst v63  }
0x77: {  	s20 =	sadd.s32 @p0 $0xFFFFFFFE, s17;
	s17 =	sadd.s32 @p0 $0xFFFFFFFF, s17;
	s18 =	sadd.s32 s5, s18  }
0x78: {  	[tilespmem:s9], [sflag:$0x1] =	stream.indirect.gather [hbm4b:s1+s25], $0x80, s26, s25, $0xb8;
	[tilespmem:$0x11400] =	vst v63  }
0x79: {  	s20 =	simm.s32 @!p0 $0x1;
	s18 =	sshll.u32 s18, $0xB;
	_ =	swait.ge [sflag:s10], $0x4000  }
0x7a: {  	s29 =	sadd.s32 s5, s20;
	s18 =	sand.u32 $0x1FFFE000, s18;
	[sflag:s10] =	ssyncset.done $0x0  }
0x7b: {  	s18 =	sadd.s32 s4, s18;
	s28 =	rddreg [dreg:$0x5];
	[sflag:s10] =	ssyncadd.s32 $0xFFFFC000  }
0x7c: {  	[hbm4b:s18+s3] =	stream.linear.scatter [tilespmem:s28], [sflag:$0x2], $0x4000, $0x38;
	[tilespmem:$0x11400] =	vst v63  }
0x7d: {  	s17 =	simm.s32 @!p0 $0x2;
	s18 =	sshll.u32 s29, $0xB;
	_ =	swait.ge [sflag:s10], $0x4000  }
0x7e: {  	s17 =	sadd.s32 s5, s17;
	s18 =	sand.u32 $0x1FFFE800, s18;
	[sflag:s10] =	ssyncset.done $0x0  }
0x7f: {  	s30 =	rddreg [dreg:$0x6];
	s18 =	sadd.s32 s4, s18;
	[sflag:s10] =	ssyncadd.s32 $0xFFFFC000  }
0x80: {  	[hbm4b:s18+s3] =	stream.linear.scatter [tilespmem:s30], [sflag:$0x3], $0x4000, $0x38;
	[tilespmem:$0x11400] =	vst v63  }
0x81: {  	s17 =	sshll.u32 s17, $0xB;
	_ =	swait.ge [sflag:s10], $0x4000  }
0x82: {  	s16 =	sadd.s32 s5, s16;
	s17 =	sand.u32 $0x1FFFF000, s17;
	[sflag:s10] =	ssyncset.done $0x0  }
0x83: {  	s17 =	sadd.s32 s4, s17;
	s31 =	rddreg [dreg:$0x7];
	[sflag:s10] =	ssyncadd.s32 $0xFFFFC000  }
0x84: {  	[hbm4b:s17+s3] =	stream.linear.scatter [tilespmem:s31], [sflag:$0x4], $0x4000, $0x38;
	[tilespmem:$0x11400] =	vst v63  }
0x85: {  	s16 =	sshll.u32 s16, $0xB;
	_ =	swait.ge [sflag:s10], $0x4000  }
0x86: {  	s16 =	sand.u32 $0x1FFFF800, s16;
	[sflag:s10] =	ssyncset.done $0x0  }
0x87: {  	s16 =	sadd.s32 s4, s16;
	[sflag:s10] =	ssyncadd.s32 $0xFFFFC000  }
0x88: {  	[hbm4b:s16+s3] =	stream.linear.scatter [tilespmem:s9], [sflag:$0x5], $0x4000, $0x38;
	[tilespmem:$0x11400] =	vst v63  }
0x89: {  	_ =	swait.ge [sflag:s11], $0x4000  }
0x8a: {  	[sflag:s11] =	ssyncset.done $0x0  }
0x8b: {  	[sflag:s11] =	ssyncadd.s32 $0xFFFFC000  }
0x8c: {  	_ =	swait.ge [sflag:s12], $0x4000  }
0x8d: {  	[sflag:s12] =	ssyncset.done $0x0  }
0x8e: {  	s15 =	sadd.s32 $0x1, s15;
	[sflag:s12] =	ssyncadd.s32 $0xFFFFC000  }
0x8f: {  	p0 =	sne.s32 s15, s7;
	_ =	swait.ge [sflag:s13], $0x4000  }
.Ltmp1:
0x90: {  	[sflag:s13] =	ssyncset.done $0x0;
	(pc) =	sbr.rel @p0 .LBB2_1-.Ltmp1, $4  }
0x91: {  	[sflag:s13] =	ssyncadd.s32 $0xFFFFC000  }
0x92: {  	_ =	swait.ge [sflag:s14], $0x4000  }
0x93: {  	[sflag:s14] =	ssyncset.done $0x0  }
0x94: {  	[sflag:s14] =	ssyncadd.s32 $0xFFFFC000  }
0x95: {  	_ =	sfence.sel $0x180000  }
0x96: {  	[bflag:$0x0] =	sbarrier.arrive $0xFFFF  }
0x97: {  	p0 =	sne.s32 s2, $0x0;
	_ =	strace $0x90000047  }
0x98: {  	s0 =	sadd.s32 @!p0 $0x100000, s0;
	[bflag:$0x2] =	sbarrier.arrive $0xFFFF  }
0x99: {  	[sflag:s0] =	ssyncadd.tile.s32 @!p0 $0x1;
	_ =	shalt  }
.Lfunc_end2:
_tile_overlayer_lowered:
.L_overlay_start_2:
0x9a: {  	(tag) =	ssettag $0x2  }
0x9b: {  	s0 =	rddreg [dreg:$0x0];
	s2 =	stileid.u32  }
0x9c: {  	s1 =	rddreg [dreg:$0x1];
	p0 =	sne.s32 s2, $0x0  }
0x9d: {  	s3 =	rddreg [dreg:$0x2];
	[bflag:$0x3] =	sbarrier.arrive $0xFFFF;
	s2 =	simm.s32 @!p0 $0x1C06  }
0x9e: {  	[timem:s3], [sflag:s2] =	dma.local @!p0 [hbm:s0], s1  }
0x9f: {  	s0 =	simm.s32 @!p0 $0x6  }
0xa0: {  	_ =	swait.ge @!p0 [sflag:s0], s1  }
0xa1: {  	s1 =	ssub.s32 @!p0 $0x0, s1;
	[sflag:s0] =	ssyncset.done @!p0 $0x0  }
0xa2: {  	[sflag:s0] =	ssyncadd.s32 @!p0 s1  }
0xa3: {  	[bflag:$0x3] =	sbarrier.arrive $0xFFFF  }
0xa4: {  	_ =	shalt  }

</sc_bundles>
